<compile_context>
chip_gen: v7x
topology: tpu7x:2x2x1
jax: 0.10.2.dev20260603
libtpu: 0.0.44.dev20260713+nightly
codegen_flags: <defaults>
</compile_context>

<pallas_src>
import jax
import jax.numpy as jnp
from jax import lax
from jax.experimental import pallas as pl
from jax.experimental.pallas import tpu as pltpu
from jax.experimental.pallas import tpu_sc as plsc

BATCH = 16384
NC = 2
NS = 16
NW = NC * NS
BPW = BATCH // NW
L = 16
CHUNK = 128
NCHUNK = BPW // CHUNK

USER_D = 32
GEO_D = 8
WIDE = 128
UPACK_C = 16384
PACK_BLK = 128

MLP_BB = 4096



def _user_pack_body(xin, pout):
    x = xin[...]
    h = UPACK_C // 2
    bi = lax.broadcasted_iota(jnp.int32, (USER_D, USER_D), 0)
    bj = lax.broadcasted_iota(jnp.int32, (USER_D, USER_D), 1)
    eye = (bi == bj).astype(jnp.float32)
    xt1 = jnp.transpose(x[:, :h])
    xt2 = lax.dot_general(x[:, h:], eye, (((0,), (0,)), ((), ())))
    q = UPACK_C // 4
    pout[:, 0:32] = xt1[0:q, :]
    pout[:, 32:64] = xt1[q:2 * q, :]
    pout[:, 64:96] = xt2[0:q, :]
    pout[:, 96:128] = xt2[q:2 * q, :]


def _user_pack(utab_t):
    n = -(-utab_t.shape[1] // UPACK_C)
    return pl.pallas_call(
        _user_pack_body,
        grid=(n,),
        in_specs=[pl.BlockSpec((USER_D, UPACK_C), lambda i: (0, i))],
        out_specs=pl.BlockSpec((UPACK_C // 4, WIDE), lambda i: (i, 0)),
        out_shape=jax.ShapeDtypeStruct((n * UPACK_C // 4, WIDE), jnp.float32),
        compiler_params=pltpu.CompilerParams(
            dimension_semantics=("arbitrary",)),
        name="user_pack",
    )(utab_t)


def _geo_pack_body(xin, pout):
    x = xin[...]
    xt = jnp.transpose(x)
    q = UPACK_C // 16
    for k in range(16):
        pout[:, 8 * k:8 * k + 8] = xt[k * q:(k + 1) * q, :]


def _geo_pack(gtab_t):
    n = -(-gtab_t.shape[1] // UPACK_C)
    return pl.pallas_call(
        _geo_pack_body,
        grid=(n,),
        in_specs=[pl.BlockSpec((GEO_D, UPACK_C), lambda i: (0, i))],
        out_specs=pl.BlockSpec((UPACK_C // 16, WIDE), lambda i: (i, 0)),
        out_shape=jax.ShapeDtypeStruct((n * UPACK_C // 16, WIDE), jnp.float32),
        compiler_params=pltpu.CompilerParams(
            dimension_semantics=("arbitrary",)),
        name="geo_pack",
    )(gtab_t)



def _sc_gather_body(uid_hbm, gcell_hbm, utab_hbm, gtab_hbm,
                    uout_hbm, gout_hbm,
                    uidx_v, gidx_v, rows_v, sem):
    c = lax.axis_index("c")
    s = lax.axis_index("s")
    wid = s * NC + c
    r0 = wid * NCHUNK
    b0 = wid * BPW

    pltpu.sync_copy(uid_hbm.at[pl.ds(r0, NCHUNK), :], uidx_v)
    pltpu.sync_copy(gcell_hbm.at[pl.ds(r0, NCHUNK), :], gidx_v)

    for j in range(NCHUNK):
        for i in range(CHUNK // L):
            sl = (j, pl.ds(i * L, L))
            u = uidx_v[sl]
            uidx_v[sl] = ((u >> 14) << 12) | (u & 4095)
            g = gidx_v[sl]
            gidx_v[sl] = ((g >> 14) << 10) | (g & 1023)

    copies = []
    for j in range(NCHUNK):
        copies.append(pltpu.async_copy(
            utab_hbm.at[uidx_v.at[j]],
            rows_v.at[pl.ds(j * CHUNK, CHUNK)], sem))
    for cp in copies:
        cp.wait()
    pltpu.sync_copy(rows_v, uout_hbm.at[pl.ds(b0, BPW)])

    copies = []
    for j in range(NCHUNK):
        copies.append(pltpu.async_copy(
            gtab_hbm.at[gidx_v.at[j]],
            rows_v.at[pl.ds(j * CHUNK, CHUNK)], sem))
    for cp in copies:
        cp.wait()
    pltpu.sync_copy(rows_v, gout_hbm.at[pl.ds(b0, BPW)])


def _sc_gather(uid2d, gc2d, utab_packed, gtab_packed):
    mesh = plsc.VectorSubcoreMesh(
        core_axis_name="c", subcore_axis_name="s",
        num_cores=NC, num_subcores=NS)
    fn = pl.kernel(
        _sc_gather_body,
        out_type=(
            jax.ShapeDtypeStruct((BATCH, WIDE), jnp.float32),
            jax.ShapeDtypeStruct((BATCH, WIDE), jnp.float32),
        ),
        mesh=mesh,
        scratch_types=[
            pltpu.VMEM((NCHUNK, CHUNK), jnp.int32),
            pltpu.VMEM((NCHUNK, CHUNK), jnp.int32),
            pltpu.VMEM((BPW, WIDE), jnp.float32),
            pltpu.SemaphoreType.DMA,
        ],
        name="sc_user_geo_gather",
    )
    return fn(uid2d, gc2d, utab_packed, gtab_packed)



def _mlp_body(uwide, gwide, ids, intr,
              atab, stab, w0, b0, w1, b1, w2, b2, out):
    f32 = jnp.float32
    hi = jax.lax.Precision.DEFAULT
    dn = (((1,), (0,)), ((), ()))

    ids_u = ids[:, 0:1]
    ids_g = ids[:, 1:2]

    lanes = lax.broadcasted_iota(jnp.int32, (MLP_BB, WIDE), 1)
    umask = (lanes >> 5 == ((ids_u >> 12) & 3)).astype(f32)
    gmask = (lanes >> 3 == ((ids_g >> 10) & 15)).astype(f32)

    qi = lax.broadcasted_iota(jnp.int32, (WIDE, USER_D), 0)
    qj = lax.broadcasted_iota(jnp.int32, (WIDE, USER_D), 1)
    qu = ((qi & 31) == qj).astype(f32)
    gi = lax.broadcasted_iota(jnp.int32, (WIDE, GEO_D), 0)
    gj = lax.broadcasted_iota(jnp.int32, (WIDE, GEO_D), 1)
    qg = ((gi & 7) == gj).astype(f32)

    u = lax.dot_general(uwide[...] * umask, qu, dn, precision=hi)
    geo = lax.dot_general(gwide[...] * gmask, qg, dn, precision=hi)

    ids_a = ids[:, 2:3]
    ids_s = ids[:, 3:4]
    iot = lax.broadcasted_iota(jnp.int32, (MLP_BB, 16), 1)
    aoh = (iot == ids_a).astype(f32)
    soh = (iot == ids_s).astype(f32)
    a_emb = lax.dot_general(aoh, atab[...], dn, precision=hi)
    s_emb = lax.dot_general(soh, stab[...], dn, precision=hi)

    x = jnp.concatenate([u, geo, a_emb, s_emb, intr[...]], axis=1)
    h = lax.dot_general(x, w0[...], dn, precision=hi) + b0[...]
    h = jnp.maximum(h, 0.0)
    h = lax.dot_general(h, w1[...], dn, precision=hi) + b1[...]
    h = jnp.maximum(h, 0.0)
    o = lax.dot_general(h, w2[...], dn, precision=hi) + b2[...]

    n2 = jnp.sum(o * o, axis=1, keepdims=True)
    out[...] = o * lax.rsqrt(jnp.maximum(n2, 1e-24))


def _mlp(uwide, gwide, ids4, interest,
         atab16, stab16, W0, b0, W1, b1, W2, b2):
    nblk = BATCH // MLP_BB
    bspec = lambda r, cols: pl.BlockSpec((r, cols), lambda i: (i, 0))
    full = lambda shape: pl.BlockSpec(shape, lambda i: (0, 0))
    return pl.pallas_call(
        _mlp_body,
        grid=(nblk,),
        in_specs=[
            bspec(MLP_BB, WIDE),
            bspec(MLP_BB, WIDE),
            bspec(MLP_BB, 4),
            bspec(MLP_BB, 64),
            full((16, 4)),
            full((16, 4)),
            full((112, 256)),
            full((1, 256)),
            full((256, 128)),
            full((1, 128)),
            full((128, 64)),
            full((1, 64)),
        ],
        out_specs=bspec(MLP_BB, 64),
        out_shape=jax.ShapeDtypeStruct((BATCH, 64), jnp.float32),
        compiler_params=pltpu.CompilerParams(
            dimension_semantics=("arbitrary",)),
        name="user_tower_mlp",
    )(uwide, gwide, ids4, interest,
      atab16, stab16, W0, b0, W1, b1, W2, b2)


def kernel(user_ids, geo_cells, age_buckets, schedule_types,
           interest_vectors, user_table, geo_table, age_table, sched_table,
           W0, b0, W1, b1, W2, b2):
    uid = user_ids.astype(jnp.int32)
    gc = geo_cells.astype(jnp.int32)
    ab = age_buckets.astype(jnp.int32)
    st = schedule_types.astype(jnp.int32)

    utab_packed = _user_pack(user_table.T)
    gtab_packed = _geo_pack(geo_table.T)

    uwide, gwide = _sc_gather(uid.reshape(128, 128), gc.reshape(128, 128),
                              utab_packed, gtab_packed)

    atab16 = jnp.zeros((16, 4), jnp.float32).at[:age_table.shape[0]].set(age_table)
    stab16 = jnp.zeros((16, 4), jnp.float32).at[:sched_table.shape[0]].set(sched_table)

    ids4 = jnp.stack([uid, gc, ab, st], axis=1)
    return _mlp(uwide, gwide, ids4,
                interest_vectors,
                atab16, stab16,
                W0, b0.reshape(1, -1), W1, b1.reshape(1, -1),
                W2, b2.reshape(1, -1))

# --- scband reference (transcript-rebuilt; emitter-appended) ---
"""Pipeline reference for scband-user-tower-18966575579761 (READ-ONLY COPY).

The authoritative reference and input builder live on the scoring server;
editing this copy changes nothing except your own understanding.
"""

import jax, jax.numpy as jnp
import numpy as np

N_USERS = 1000000
N_GEO = 100000
N_AGE = 10
N_SCHED = 8
INTEREST_DIM = 64
EMBED_DIM = 64
BATCH = 16384
HIDDEN = [256, 128]


def setup_inputs(seed: int = 0) -> dict:
    key = jax.random.key(seed)
    ks = jax.random.split(key, 16)
    user_ids = jax.random.randint(ks[0], (BATCH,), 0, N_USERS, dtype=jnp.int64 if jax.config.jax_enable_x64 else jnp.int32)
    geo_cells = jax.random.randint(ks[1], (BATCH,), 0, N_GEO, dtype=jnp.int32)
    age_buckets = jax.random.randint(ks[2], (BATCH,), 0, N_AGE, dtype=jnp.int32)
    schedule_types = jax.random.randint(ks[3], (BATCH,), 0, N_SCHED, dtype=jnp.int32)
    interest_vectors = jax.random.normal(ks[4], (BATCH, INTEREST_DIM), dtype=jnp.float32)
    # embedding tables (torch nn.Embedding default init ~ N(0,1))
    user_table = jax.random.normal(ks[5], (N_USERS, EMBED_DIM // 2), dtype=jnp.float32)
    geo_table = jax.random.normal(ks[6], (N_GEO, 8), dtype=jnp.float32)
    age_table = jax.random.normal(ks[7], (N_AGE, 4), dtype=jnp.float32)
    sched_table = jax.random.normal(ks[8], (N_SCHED, 4), dtype=jnp.float32)
    mlp_in = EMBED_DIM // 2 + 8 + 4 + 4 + INTEREST_DIM  # 112
    dims = [mlp_in] + HIDDEN + [EMBED_DIM]
    params = {}
    for i in range(len(dims) - 1):
        fan_in = dims[i]
        bound = 1.0 / np.sqrt(fan_in)
        params[f"W{i}"] = jax.random.uniform(ks[9 + i], (dims[i], dims[i + 1]), minval=-bound, maxval=bound, dtype=jnp.float32)
        params[f"b{i}"] = jax.random.uniform(ks[12 + i], (dims[i + 1],), minval=-bound, maxval=bound, dtype=jnp.float32)
    out = {
        "user_ids": user_ids,
        "geo_cells": geo_cells,
        "age_buckets": age_buckets,
        "schedule_types": schedule_types,
        "interest_vectors": interest_vectors,
        "user_table": user_table,
        "geo_table": geo_table,
        "age_table": age_table,
        "sched_table": sched_table,
    }
    out.update(params)
    return out


def reference(user_ids, geo_cells, age_buckets, schedule_types, interest_vectors,
              user_table, geo_table, age_table, sched_table,
              W0, b0, W1, b1, W2, b2):
    user_emb = jnp.take(user_table, user_ids, axis=0)
    geo_emb = jnp.take(geo_table, geo_cells, axis=0)
    age_emb = jnp.take(age_table, age_buckets, axis=0)
    sched_emb = jnp.take(sched_table, schedule_types, axis=0)
    x = jnp.concatenate([user_emb, geo_emb, age_emb, sched_emb, interest_vectors], axis=-1)
    # MLP (dropout is identity in eval mode)
    h = jax.nn.relu(x @ W0 + b0)
    h = jax.nn.relu(h @ W1 + b1)
    out = h @ W2 + b2
    # F.normalize(p=2, dim=-1)
    norm = jnp.linalg.norm(out, ord=2, axis=-1, keepdims=True)
    return out / jnp.maximum(norm, 1e-12)

if __name__ == "__main__":
    import jax
    _d = setup_inputs()
    print(jax.jit(kernel)(*tuple(_d.values())))

</pallas_src>

<mosaic_0001>
#map = affine_map<(d0, d1) -> (0, 0)>
module attributes {stable_mosaic.version = 14 : i64} {
  func.func @sc_user_geo_gather(%arg0: i32, %arg1: i32, %arg2: memref<128x128xi32, #tpu.memory_space<hbm>>, %arg3: memref<128x128xi32, #tpu.memory_space<hbm>>, %arg4: memref<253952x128xf32, #tpu.memory_space<hbm>>, %arg5: memref<7168x128xf32, #tpu.memory_space<hbm>>, %arg6: memref<16384x128xf32, #tpu.memory_space<hbm>>, %arg7: memref<16384x128xf32, #tpu.memory_space<hbm>>, %arg8: memref<4x128xi32, #tpu.memory_space<vmem>>, %arg9: memref<4x128xi32, #tpu.memory_space<vmem>>, %arg10: memref<512x128xf32, #tpu.memory_space<vmem>>, %arg11: memref<!tpu.dma_semaphore, #tpu.memory_space<semaphore_mem>>) attributes {dimension_semantics = [#tpu.dimension_semantics<core_parallel>, #tpu.dimension_semantics<subcore_parallel>], iteration_bounds = array<i64: 2, 16>, scalar_prefetch = 0 : i64, scratch_operands = 4 : i64, tpu.core_type = #tpu.core_type<sc_vector_subcore>, window_params = [{transform_indices = #map}, {transform_indices = #map}, {transform_indices = #map}, {transform_indices = #map}, {transform_indices = #map}, {transform_indices = #map}]} {
    %mul3A = arith.constant 2 : i32
    %mul3A_0 = arith.muli %arg1, %mul3A : i32
    %add3A = arith.addi %mul3A_0, %arg0 : i32
    %mul3A_1 = arith.constant 4 : i32
    %mul3A_2 = arith.muli %add3A, %mul3A_1 : i32
    %mul3A_3 = arith.constant 512 : i32
    %mul3A_4 = arith.muli %add3A, %mul3A_3 : i32
    "tpu.region"() ({
      %run_scoped3A = tpu.sem_alloc : memref<!tpu.dma_semaphore, #tpu.memory_space<semaphore_mem>>
      %dma_start3A_1501 = arith.constant 0 : i32
      %dma_start3A_1502 = tpu.memref_slice %arg2[%mul3A_2, %dma_start3A_1501] : memref<128x128xi32, #tpu.memory_space<hbm>> -> memref<4x128xi32, #tpu.memory_space<hbm>>
      %dma_start3A_1503 = arith.constant 0 : i32
      %dma_start3A_1504 = tpu.memref_slice %arg2[%mul3A_2, %dma_start3A_1503] : memref<128x128xi32, #tpu.memory_space<hbm>> -> memref<4x128xi32, #tpu.memory_space<hbm>>
      tpu.enqueue_dma source(%dma_start3A_1504 : memref<4x128xi32, #tpu.memory_space<hbm>>) target(%arg8 : memref<4x128xi32, #tpu.memory_space<vmem>>) target_semaphore(%run_scoped3A : memref<!tpu.dma_semaphore, #tpu.memory_space<semaphore_mem>>)
      %dma_wait3A_1505 = arith.constant 0 : i32
      %dma_wait3A_1506 = tpu.memref_slice %arg2[%mul3A_2, %dma_wait3A_1505] : memref<128x128xi32, #tpu.memory_space<hbm>> -> memref<4x128xi32, #tpu.memory_space<hbm>>
      %dma_wait3A_1507 = arith.constant 0 : i32
      %dma_wait3A_1508 = tpu.memref_slice %arg2[%mul3A_2, %dma_wait3A_1507] : memref<128x128xi32, #tpu.memory_space<hbm>> -> memref<4x128xi32, #tpu.memory_space<hbm>>
      tpu.wait_dma2 semaphore(%run_scoped3A : memref<!tpu.dma_semaphore, #tpu.memory_space<semaphore_mem>>) src(%dma_wait3A_1508 : memref<4x128xi32, #tpu.memory_space<hbm>>) dst(%arg8 : memref<4x128xi32, #tpu.memory_space<vmem>>)
      tpu.yield
    }) : () -> ()
    "tpu.region"() ({
      %run_scoped3A = tpu.sem_alloc : memref<!tpu.dma_semaphore, #tpu.memory_space<semaphore_mem>>
      %dma_start3A_1501 = arith.constant 0 : i32
      %dma_start3A_1502 = tpu.memref_slice %arg3[%mul3A_2, %dma_start3A_1501] : memref<128x128xi32, #tpu.memory_space<hbm>> -> memref<4x128xi32, #tpu.memory_space<hbm>>
      %dma_start3A_1503 = arith.constant 0 : i32
      %dma_start3A_1504 = tpu.memref_slice %arg3[%mul3A_2, %dma_start3A_1503] : memref<128x128xi32, #tpu.memory_space<hbm>> -> memref<4x128xi32, #tpu.memory_space<hbm>>
      tpu.enqueue_dma source(%dma_start3A_1504 : memref<4x128xi32, #tpu.memory_space<hbm>>) target(%arg9 : memref<4x128xi32, #tpu.memory_space<vmem>>) target_semaphore(%run_scoped3A : memref<!tpu.dma_semaphore, #tpu.memory_space<semaphore_mem>>)
      %dma_wait3A_1505 = arith.constant 0 : i32
      %dma_wait3A_1506 = tpu.memref_slice %arg3[%mul3A_2, %dma_wait3A_1505] : memref<128x128xi32, #tpu.memory_space<hbm>> -> memref<4x128xi32, #tpu.memory_space<hbm>>
      %dma_wait3A_1507 = arith.constant 0 : i32
      %dma_wait3A_1508 = tpu.memref_slice %arg3[%mul3A_2, %dma_wait3A_1507] : memref<128x128xi32, #tpu.memory_space<hbm>> -> memref<4x128xi32, #tpu.memory_space<hbm>>
      tpu.wait_dma2 semaphore(%run_scoped3A : memref<!tpu.dma_semaphore, #tpu.memory_space<semaphore_mem>>) src(%dma_wait3A_1508 : memref<4x128xi32, #tpu.memory_space<hbm>>) dst(%arg9 : memref<4x128xi32, #tpu.memory_space<vmem>>)
      tpu.yield
    }) : () -> ()
    %get3A = arith.constant 0 : i32
    %get3A_5 = arith.index_cast %get3A : i32 to index
    %get3A_6 = arith.constant 0 : index
    %get3A_7 = tpu.vector_load %arg8[%get3A_5, %get3A_6] {strides = array<i32>} : memref<4x128xi32, #tpu.memory_space<vmem>>, vector<1x16xi32>,
    %get3A_8 = vector.shape_cast %get3A_7 : vector<1x16xi32> to vector<16xi32>
    %shift_right_arithmetic3A = arith.constant 14 : i32
    %shift_right_arithmetic3A_9 = vector.broadcast %shift_right_arithmetic3A : i32 to vector<16xi32>
    %shift_right_arithmetic3A_10 = arith.shrsi %get3A_8, %shift_right_arithmetic3A_9 : vector<16xi32>
    %shift_left3A = arith.constant 12 : i32
    %shift_left3A_11 = vector.broadcast %shift_left3A : i32 to vector<16xi32>
    %shift_left3A_12 = arith.shli %shift_right_arithmetic3A_10, %shift_left3A_11 : vector<16xi32>
    %and3A = arith.constant 4095 : i32
    %and3A_13 = vector.broadcast %and3A : i32 to vector<16xi32>
    %and3A_14 = arith.andi %get3A_8, %and3A_13 : vector<16xi32>
    %or3A = arith.ori %shift_left3A_12, %and3A_14 : vector<16xi32>
    %swap3A = arith.constant 0 : i32
    %swap3A_15 = arith.index_cast %swap3A : i32 to index
    %swap3A_16 = arith.constant 0 : index
    %swap3A_17 = tpu.vector_load %arg8[%swap3A_15, %swap3A_16] {strides = array<i32>} : memref<4x128xi32, #tpu.memory_space<vmem>>, vector<1x16xi32>,
    %swap3A_18 = vector.shape_cast %swap3A_17 : vector<1x16xi32> to vector<16xi32>
    %swap3A_19 = vector.shape_cast %or3A : vector<16xi32> to vector<1x16xi32>
    tpu.vector_store %arg8[%swap3A_15, %swap3A_16], %swap3A_19 {strides = array<i32>} : memref<4x128xi32, #tpu.memory_space<vmem>>, vector<1x16xi32>,
    %get3A_20 = arith.constant 0 : i32
    %get3A_21 = arith.index_cast %get3A_20 : i32 to index
    %get3A_22 = arith.constant 0 : index
    %get3A_23 = tpu.vector_load %arg9[%get3A_21, %get3A_22] {strides = array<i32>} : memref<4x128xi32, #tpu.memory_space<vmem>>, vector<1x16xi32>,
    %get3A_24 = vector.shape_cast %get3A_23 : vector<1x16xi32> to vector<16xi32>
    %shift_right_arithmetic3A_25 = arith.constant 14 : i32
    %shift_right_arithmetic3A_26 = vector.broadcast %shift_right_arithmetic3A_25 : i32 to vector<16xi32>
    %shift_right_arithmetic3A_27 = arith.shrsi %get3A_24, %shift_right_arithmetic3A_26 : vector<16xi32>
    %shift_left3A_28 = arith.constant 10 : i32
    %shift_left3A_29 = vector.broadcast %shift_left3A_28 : i32 to vector<16xi32>
    %shift_left3A_30 = arith.shli %shift_right_arithmetic3A_27, %shift_left3A_29 : vector<16xi32>
    %and3A_31 = arith.constant 1023 : i32
    %and3A_32 = vector.broadcast %and3A_31 : i32 to vector<16xi32>
    %and3A_33 = arith.andi %get3A_24, %and3A_32 : vector<16xi32>
    %or3A_34 = arith.ori %shift_left3A_30, %and3A_33 : vector<16xi32>
    %swap3A_35 = arith.constant 0 : i32
    %swap3A_36 = arith.index_cast %swap3A_35 : i32 to index
    %swap3A_37 = arith.constant 0 : index
    %swap3A_38 = tpu.vector_load %arg9[%swap3A_36, %swap3A_37] {strides = array<i32>} : memref<4x128xi32, #tpu.memory_space<vmem>>, vector<1x16xi32>,
    %swap3A_39 = vector.shape_cast %swap3A_38 : vector<1x16xi32> to vector<16xi32>
    %swap3A_40 = vector.shape_cast %or3A_34 : vector<16xi32> to vector<1x16xi32>
    tpu.vector_store %arg9[%swap3A_36, %swap3A_37], %swap3A_40 {strides = array<i32>} : memref<4x128xi32, #tpu.memory_space<vmem>>, vector<1x16xi32>,
    %get3A_41 = arith.constant 0 : i32
    %get3A_42 = arith.index_cast %get3A_41 : i32 to index
    %get3A_43 = arith.constant 16 : index
    %get3A_44 = tpu.vector_load %arg8[%get3A_42, %get3A_43] {strides = array<i32>} : memref<4x128xi32, #tpu.memory_space<vmem>>, vector<1x16xi32>,
    %get3A_45 = vector.shape_cast %get3A_44 : vector<1x16xi32> to vector<16xi32>
    %shift_right_arithmetic3A_46 = arith.constant 14 : i32
    %shift_right_arithmetic3A_47 = vector.broadcast %shift_right_arithmetic3A_46 : i32 to vector<16xi32>
    %shift_right_arithmetic3A_48 = arith.shrsi %get3A_45, %shift_right_arithmetic3A_47 : vector<16xi32>
    %shift_left3A_49 = arith.constant 12 : i32
    %shift_left3A_50 = vector.broadcast %shift_left3A_49 : i32 to vector<16xi32>
    %shift_left3A_51 = arith.shli %shift_right_arithmetic3A_48, %shift_left3A_50 : vector<16xi32>
    %and3A_52 = arith.constant 4095 : i32
    %and3A_53 = vector.broadcast %and3A_52 : i32 to vector<16xi32>
    %and3A_54 = arith.andi %get3A_45, %and3A_53 : vector<16xi32>
    %or3A_55 = arith.ori %shift_left3A_51, %and3A_54 : vector<16xi32>
    %swap3A_56 = arith.constant 0 : i32
    %swap3A_57 = arith.index_cast %swap3A_56 : i32 to index
    %swap3A_58 = arith.constant 16 : index
    %swap3A_59 = tpu.vector_load %arg8[%swap3A_57, %swap3A_58] {strides = array<i32>} : memref<4x128xi32, #tpu.memory_space<vmem>>, vector<1x16xi32>,
    %swap3A_60 = vector.shape_cast %swap3A_59 : vector<1x16xi32> to vector<16xi32>
    %swap3A_61 = vector.shape_cast %or3A_55 : vector<16xi32> to vector<1x16xi32>
    tpu.vector_store %arg8[%swap3A_57, %swap3A_58], %swap3A_61 {strides = array<i32>} : memref<4x128xi32, #tpu.memory_space<vmem>>, vector<1x16xi32>,
    %get3A_62 = arith.constant 0 : i32
    %get3A_63 = arith.index_cast %get3A_62 : i32 to index
    %get3A_64 = arith.constant 16 : index
    %get3A_65 = tpu.vector_load %arg9[%get3A_63, %get3A_64] {strides = array<i32>} : memref<4x128xi32, #tpu.memory_space<vmem>>, vector<1x16xi32>,
    %get3A_66 = vector.shape_cast %get3A_65 : vector<1x16xi32> to vector<16xi32>
    %shift_right_arithmetic3A_67 = arith.constant 14 : i32
    %shift_right_arithmetic3A_68 = vector.broadcast %shift_right_arithmetic3A_67 : i32 to vector<16xi32>
    %shift_right_arithmetic3A_69 = arith.shrsi %get3A_66, %shift_right_arithmetic3A_68 : vector<16xi32>
    %shift_left3A_70 = arith.constant 10 : i32
    %shift_left3A_71 = vector.broadcast %shift_left3A_70 : i32 to vector<16xi32>
    %shift_left3A_72 = arith.shli %shift_right_arithmetic3A_69, %shift_left3A_71 : vector<16xi32>
    %and3A_73 = arith.constant 1023 : i32
    %and3A_74 = vector.broadcast %and3A_73 : i32 to vector<16xi32>
    %and3A_75 = arith.andi %get3A_66, %and3A_74 : vector<16xi32>
    %or3A_76 = arith.ori %shift_left3A_72, %and3A_75 : vector<16xi32>
    %swap3A_77 = arith.constant 0 : i32
    %swap3A_78 = arith.index_cast %swap3A_77 : i32 to index
    %swap3A_79 = arith.constant 16 : index
    %swap3A_80 = tpu.vector_load %arg9[%swap3A_78, %swap3A_79] {strides = array<i32>} : memref<4x128xi32, #tpu.memory_space<vmem>>, vector<1x16xi32>,
    %swap3A_81 = vector.shape_cast %swap3A_80 : vector<1x16xi32> to vector<16xi32>
    %swap3A_82 = vector.shape_cast %or3A_76 : vector<16xi32> to vector<1x16xi32>
    tpu.vector_store %arg9[%swap3A_78, %swap3A_79], %swap3A_82 {strides = array<i32>} : memref<4x128xi32, #tpu.memory_space<vmem>>, vector<1x16xi32>,
    %get3A_83 = arith.constant 0 : i32
    %get3A_84 = arith.index_cast %get3A_83 : i32 to index
    %get3A_85 = arith.constant 32 : index
    %get3A_86 = tpu.vector_load %arg8[%get3A_84, %get3A_85] {strides = array<i32>} : memref<4x128xi32, #tpu.memory_space<vmem>>, vector<1x16xi32>,
    %get3A_87 = vector.shape_cast %get3A_86 : vector<1x16xi32> to vector<16xi32>
    %shift_right_arithmetic3A_88 = arith.constant 14 : i32
    %shift_right_arithmetic3A_89 = vector.broadcast %shift_right_arithmetic3A_88 : i32 to vector<16xi32>
    %shift_right_arithmetic3A_90 = arith.shrsi %get3A_87, %shift_right_arithmetic3A_89 : vector<16xi32>
    %shift_left3A_91 = arith.constant 12 : i32
    %shift_left3A_92 = vector.broadcast %shift_left3A_91 : i32 to vector<16xi32>
    %shift_left3A_93 = arith.shli %shift_right_arithmetic3A_90, %shift_left3A_92 : vector<16xi32>
    %and3A_94 = arith.constant 4095 : i32
    %and3A_95 = vector.broadcast %and3A_94 : i32 to vector<16xi32>
    %and3A_96 = arith.andi %get3A_87, %and3A_95 : vector<16xi32>
    %or3A_97 = arith.ori %shift_left3A_93, %and3A_96 : vector<16xi32>
    %swap3A_98 = arith.constant 0 : i32
    %swap3A_99 = arith.index_cast %swap3A_98 : i32 to index
    %swap3A_100 = arith.constant 32 : index
    %swap3A_101 = tpu.vector_load %arg8[%swap3A_99, %swap3A_100] {strides = array<i32>} : memref<4x128xi32, #tpu.memory_space<vmem>>, vector<1x16xi32>,
    %swap3A_102 = vector.shape_cast %swap3A_101 : vector<1x16xi32> to vector<16xi32>
    %swap3A_103 = vector.shape_cast %or3A_97 : vector<16xi32> to vector<1x16xi32>
    tpu.vector_store %arg8[%swap3A_99, %swap3A_100], %swap3A_103 {strides = array<i32>} : memref<4x128xi32, #tpu.memory_space<vmem>>, vector<1x16xi32>,
    %get3A_104 = arith.constant 0 : i32
    %get3A_105 = arith.index_cast %get3A_104 : i32 to index
    %get3A_106 = arith.constant 32 : index
    %get3A_107 = tpu.vector_load %arg9[%get3A_105, %get3A_106] {strides = array<i32>} : memref<4x128xi32, #tpu.memory_space<vmem>>, vector<1x16xi32>,
    %get3A_108 = vector.shape_cast %get3A_107 : vector<1x16xi32> to vector<16xi32>
    %shift_right_arithmetic3A_109 = arith.constant 14 : i32
    %shift_right_arithmetic3A_110 = vector.broadcast %shift_right_arithmetic3A_109 : i32 to vector<16xi32>
    %shift_right_arithmetic3A_111 = arith.shrsi %get3A_108, %shift_right_arithmetic3A_110 : vector<16xi32>
    %shift_left3A_112 = arith.constant 10 : i32
    %shift_left3A_113 = vector.broadcast %shift_left3A_112 : i32 to vector<16xi32>
    %shift_left3A_114 = arith.shli %shift_right_arithmetic3A_111, %shift_left3A_113 : vector<16xi32>
    %and3A_115 = arith.constant 1023 : i32
    %and3A_116 = vector.broadcast %and3A_115 : i32 to vector<16xi32>
    %and3A_117 = arith.andi %get3A_108, %and3A_116 : vector<16xi32>
    %or3A_118 = arith.ori %shift_left3A_114, %and3A_117 : vector<16xi32>
    %swap3A_119 = arith.constant 0 : i32
    %swap3A_120 = arith.index_cast %swap3A_119 : i32 to index
    %swap3A_121 = arith.constant 32 : index
    %swap3A_122 = tpu.vector_load %arg9[%swap3A_120, %swap3A_121] {strides = array<i32>} : memref<4x128xi32, #tpu.memory_space<vmem>>, vector<1x16xi32>,
    %swap3A_123 = vector.shape_cast %swap3A_122 : vector<1x16xi32> to vector<16xi32>
    %swap3A_124 = vector.shape_cast %or3A_118 : vector<16xi32> to vector<1x16xi32>
    tpu.vector_store %arg9[%swap3A_120, %swap3A_121], %swap3A_124 {strides = array<i32>} : memref<4x128xi32, #tpu.memory_space<vmem>>, vector<1x16xi32>,
    %get3A_125 = arith.constant 0 : i32
    %get3A_126 = arith.index_cast %get3A_125 : i32 to index
    %get3A_127 = arith.constant 48 : index
    %get3A_128 = tpu.vector_load %arg8[%get3A_126, %get3A_127] {strides = array<i32>} : memref<4x128xi32, #tpu.memory_space<vmem>>, vector<1x16xi32>,
    %get3A_129 = vector.shape_cast %get3A_128 : vector<1x16xi32> to vector<16xi32>
    %shift_right_arithmetic3A_130 = arith.constant 14 : i32
    %shift_right_arithmetic3A_131 = vector.broadcast %shift_right_arithmetic3A_130 : i32 to vector<16xi32>
    %shift_right_arithmetic3A_132 = arith.shrsi %get3A_129, %shift_right_arithmetic3A_131 : vector<16xi32>
    %shift_left3A_133 = arith.constant 12 : i32
    %shift_left3A_134 = vector.broadcast %shift_left3A_133 : i32 to vector<16xi32>
    %shift_left3A_135 = arith.shli %shift_right_arithmetic3A_132, %shift_left3A_134 : vector<16xi32>
    %and3A_136 = arith.constant 4095 : i32
    %and3A_137 = vector.broadcast %and3A_136 : i32 to vector<16xi32>
    %and3A_138 = arith.andi %get3A_129, %and3A_137 : vector<16xi32>
    %or3A_139 = arith.ori %shift_left3A_135, %and3A_138 : vector<16xi32>
    %swap3A_140 = arith.constant 0 : i32
    %swap3A_141 = arith.index_cast %swap3A_140 : i32 to index
    %swap3A_142 = arith.constant 48 : index
    %swap3A_143 = tpu.vector_load %arg8[%swap3A_141, %swap3A_142] {strides = array<i32>} : memref<4x128xi32, #tpu.memory_space<vmem>>, vector<1x16xi32>,
    %swap3A_144 = vector.shape_cast %swap3A_143 : vector<1x16xi32> to vector<16xi32>
    %swap3A_145 = vector.shape_cast %or3A_139 : vector<16xi32> to vector<1x16xi32>
    tpu.vector_store %arg8[%swap3A_141, %swap3A_142], %swap3A_145 {strides = array<i32>} : memref<4x128xi32, #tpu.memory_space<vmem>>, vector<1x16xi32>,
    %get3A_146 = arith.constant 0 : i32
    %get3A_147 = arith.index_cast %get3A_146 : i32 to index
    %get3A_148 = arith.constant 48 : index
    %get3A_149 = tpu.vector_load %arg9[%get3A_147, %get3A_148] {strides = array<i32>} : memref<4x128xi32, #tpu.memory_space<vmem>>, vector<1x16xi32>,
    %get3A_150 = vector.shape_cast %get3A_149 : vector<1x16xi32> to vector<16xi32>
    %shift_right_arithmetic3A_151 = arith.constant 14 : i32
    %shift_right_arithmetic3A_152 = vector.broadcast %shift_right_arithmetic3A_151 : i32 to vector<16xi32>
    %shift_right_arithmetic3A_153 = arith.shrsi %get3A_150, %shift_right_arithmetic3A_152 : vector<16xi32>
    %shift_left3A_154 = arith.constant 10 : i32
    %shift_left3A_155 = vector.broadcast %shift_left3A_154 : i32 to vector<16xi32>
    %shift_left3A_156 = arith.shli %shift_right_arithmetic3A_153, %shift_left3A_155 : vector<16xi32>
    %and3A_157 = arith.constant 1023 : i32
    %and3A_158 = vector.broadcast %and3A_157 : i32 to vector<16xi32>
    %and3A_159 = arith.andi %get3A_150, %and3A_158 : vector<16xi32>
    %or3A_160 = arith.ori %shift_left3A_156, %and3A_159 : vector<16xi32>
    %swap3A_161 = arith.constant 0 : i32
    %swap3A_162 = arith.index_cast %swap3A_161 : i32 to index
    %swap3A_163 = arith.constant 48 : index
    %swap3A_164 = tpu.vector_load %arg9[%swap3A_162, %swap3A_163] {strides = array<i32>} : memref<4x128xi32, #tpu.memory_space<vmem>>, vector<1x16xi32>,
    %swap3A_165 = vector.shape_cast %swap3A_164 : vector<1x16xi32> to vector<16xi32>
    %swap3A_166 = vector.shape_cast %or3A_160 : vector<16xi32> to vector<1x16xi32>
    tpu.vector_store %arg9[%swap3A_162, %swap3A_163], %swap3A_166 {strides = array<i32>} : memref<4x128xi32, #tpu.memory_space<vmem>>, vector<1x16xi32>,
    %get3A_167 = arith.constant 0 : i32
    %get3A_168 = arith.index_cast %get3A_167 : i32 to index
    %get3A_169 = arith.constant 64 : index
    %get3A_170 = tpu.vector_load %arg8[%get3A_168, %get3A_169] {strides = array<i32>} : memref<4x128xi32, #tpu.memory_space<vmem>>, vector<1x16xi32>,
    %get3A_171 = vector.shape_cast %get3A_170 : vector<1x16xi32> to vector<16xi32>
    %shift_right_arithmetic3A_172 = arith.constant 14 : i32
    %shift_right_arithmetic3A_173 = vector.broadcast %shift_right_arithmetic3A_172 : i32 to vector<16xi32>
    %shift_right_arithmetic3A_174 = arith.shrsi %get3A_171, %shift_right_arithmetic3A_173 : vector<16xi32>
    %shift_left3A_175 = arith.constant 12 : i32
    %shift_left3A_176 = vector.broadcast %shift_left3A_175 : i32 to vector<16xi32>
    %shift_left3A_177 = arith.shli %shift_right_arithmetic3A_174, %shift_left3A_176 : vector<16xi32>
    %and3A_178 = arith.constant 4095 : i32
    %and3A_179 = vector.broadcast %and3A_178 : i32 to vector<16xi32>
    %and3A_180 = arith.andi %get3A_171, %and3A_179 : vector<16xi32>
    %or3A_181 = arith.ori %shift_left3A_177, %and3A_180 : vector<16xi32>
    %swap3A_182 = arith.constant 0 : i32
    %swap3A_183 = arith.index_cast %swap3A_182 : i32 to index
    %swap3A_184 = arith.constant 64 : index
    %swap3A_185 = tpu.vector_load %arg8[%swap3A_183, %swap3A_184] {strides = array<i32>} : memref<4x128xi32, #tpu.memory_space<vmem>>, vector<1x16xi32>,
    %swap3A_186 = vector.shape_cast %swap3A_185 : vector<1x16xi32> to vector<16xi32>
    %swap3A_187 = vector.shape_cast %or3A_181 : vector<16xi32> to vector<1x16xi32>
    tpu.vector_store %arg8[%swap3A_183, %swap3A_184], %swap3A_187 {strides = array<i32>} : memref<4x128xi32, #tpu.memory_space<vmem>>, vector<1x16xi32>,
    %get3A_188 = arith.constant 0 : i32
    %get3A_189 = arith.index_cast %get3A_188 : i32 to index
    %get3A_190 = arith.constant 64 : index
    %get3A_191 = tpu.vector_load %arg9[%get3A_189, %get3A_190] {strides = array<i32>} : memref<4x128xi32, #tpu.memory_space<vmem>>, vector<1x16xi32>,
    %get3A_192 = vector.shape_cast %get3A_191 : vector<1x16xi32> to vector<16xi32>
    %shift_right_arithmetic3A_193 = arith.constant 14 : i32
    %shift_right_arithmetic3A_194 = vector.broadcast %shift_right_arithmetic3A_193 : i32 to vector<16xi32>
    %shift_right_arithmetic3A_195 = arith.shrsi %get3A_192, %shift_right_arithmetic3A_194 : vector<16xi32>
    %shift_left3A_196 = arith.constant 10 : i32
    %shift_left3A_197 = vector.broadcast %shift_left3A_196 : i32 to vector<16xi32>
    %shift_left3A_198 = arith.shli %shift_right_arithmetic3A_195, %shift_left3A_197 : vector<16xi32>
    %and3A_199 = arith.constant 1023 : i32
    %and3A_200 = vector.broadcast %and3A_199 : i32 to vector<16xi32>
    %and3A_201 = arith.andi %get3A_192, %and3A_200 : vector<16xi32>
    %or3A_202 = arith.ori %shift_left3A_198, %and3A_201 : vector<16xi32>
    %swap3A_203 = arith.constant 0 : i32
    %swap3A_204 = arith.index_cast %swap3A_203 : i32 to index
    %swap3A_205 = arith.constant 64 : index
    %swap3A_206 = tpu.vector_load %arg9[%swap3A_204, %swap3A_205] {strides = array<i32>} : memref<4x128xi32, #tpu.memory_space<vmem>>, vector<1x16xi32>,
    %swap3A_207 = vector.shape_cast %swap3A_206 : vector<1x16xi32> to vector<16xi32>
    %swap3A_208 = vector.shape_cast %or3A_202 : vector<16xi32> to vector<1x16xi32>
    tpu.vector_store %arg9[%swap3A_204, %swap3A_205], %swap3A_208 {strides = array<i32>} : memref<4x128xi32, #tpu.memory_space<vmem>>, vector<1x16xi32>,
    %get3A_209 = arith.constant 0 : i32
    %get3A_210 = arith.index_cast %get3A_209 : i32 to index
    %get3A_211 = arith.constant 80 : index
    %get3A_212 = tpu.vector_load %arg8[%get3A_210, %get3A_211] {strides = array<i32>} : memref<4x128xi32, #tpu.memory_space<vmem>>, vector<1x16xi32>,
    %get3A_213 = vector.shape_cast %get3A_212 : vector<1x16xi32> to vector<16xi32>
    %shift_right_arithmetic3A_214 = arith.constant 14 : i32
    %shift_right_arithmetic3A_215 = vector.broadcast %shift_right_arithmetic3A_214 : i32 to vector<16xi32>
    %shift_right_arithmetic3A_216 = arith.shrsi %get3A_213, %shift_right_arithmetic3A_215 : vector<16xi32>
    %shift_left3A_217 = arith.constant 12 : i32
    %shift_left3A_218 = vector.broadcast %shift_left3A_217 : i32 to vector<16xi32>
    %shift_left3A_219 = arith.shli %shift_right_arithmetic3A_216, %shift_left3A_218 : vector<16xi32>
    %and3A_220 = arith.constant 4095 : i32
    %and3A_221 = vector.broadcast %and3A_220 : i32 to vector<16xi32>
    %and3A_222 = arith.andi %get3A_213, %and3A_221 : vector<16xi32>
    %or3A_223 = arith.ori %shift_left3A_219, %and3A_222 : vector<16xi32>
    %swap3A_224 = arith.constant 0 : i32
    %swap3A_225 = arith.index_cast %swap3A_224 : i32 to index
    %swap3A_226 = arith.constant 80 : index
    %swap3A_227 = tpu.vector_load %arg8[%swap3A_225, %swap3A_226] {strides = array<i32>} : memref<4x128xi32, #tpu.memory_space<vmem>>, vector<1x16xi32>,
    %swap3A_228 = vector.shape_cast %swap3A_227 : vector<1x16xi32> to vector<16xi32>
    %swap3A_229 = vector.shape_cast %or3A_223 : vector<16xi32> to vector<1x16xi32>
    tpu.vector_store %arg8[%swap3A_225, %swap3A_226], %swap3A_229 {strides = array<i32>} : memref<4x128xi32, #tpu.memory_space<vmem>>, vector<1x16xi32>,
    %get3A_230 = arith.constant 0 : i32
    %get3A_231 = arith.index_cast %get3A_230 : i32 to index
    %get3A_232 = arith.constant 80 : index
    %get3A_233 = tpu.vector_load %arg9[%get3A_231, %get3A_232] {strides = array<i32>} : memref<4x128xi32, #tpu.memory_space<vmem>>, vector<1x16xi32>,
    %get3A_234 = vector.shape_cast %get3A_233 : vector<1x16xi32> to vector<16xi32>
    %shift_right_arithmetic3A_235 = arith.constant 14 : i32
    %shift_right_arithmetic3A_236 = vector.broadcast %shift_right_arithmetic3A_235 : i32 to vector<16xi32>
    %shift_right_arithmetic3A_237 = arith.shrsi %get3A_234, %shift_right_arithmetic3A_236 : vector<16xi32>
    %shift_left3A_238 = arith.constant 10 : i32
    %shift_left3A_239 = vector.broadcast %shift_left3A_238 : i32 to vector<16xi32>
    %shift_left3A_240 = arith.shli %shift_right_arithmetic3A_237, %shift_left3A_239 : vector<16xi32>
    %and3A_241 = arith.constant 1023 : i32
    %and3A_242 = vector.broadcast %and3A_241 : i32 to vector<16xi32>
    %and3A_243 = arith.andi %get3A_234, %and3A_242 : vector<16xi32>
    %or3A_244 = arith.ori %shift_left3A_240, %and3A_243 : vector<16xi32>
    %swap3A_245 = arith.constant 0 : i32
    %swap3A_246 = arith.index_cast %swap3A_245 : i32 to index
    %swap3A_247 = arith.constant 80 : index
    %swap3A_248 = tpu.vector_load %arg9[%swap3A_246, %swap3A_247] {strides = array<i32>} : memref<4x128xi32, #tpu.memory_space<vmem>>, vector<1x16xi32>,
    %swap3A_249 = vector.shape_cast %swap3A_248 : vector<1x16xi32> to vector<16xi32>
    %swap3A_250 = vector.shape_cast %or3A_244 : vector<16xi32> to vector<1x16xi32>
    tpu.vector_store %arg9[%swap3A_246, %swap3A_247], %swap3A_250 {strides = array<i32>} : memref<4x128xi32, #tpu.memory_space<vmem>>, vector<1x16xi32>,
    %get3A_251 = arith.constant 0 : i32
    %get3A_252 = arith.index_cast %get3A_251 : i32 to index
    %get3A_253 = arith.constant 96 : index
    %get3A_254 = tpu.vector_load %arg8[%get3A_252, %get3A_253] {strides = array<i32>} : memref<4x128xi32, #tpu.memory_space<vmem>>, vector<1x16xi32>,
    %get3A_255 = vector.shape_cast %get3A_254 : vector<1x16xi32> to vector<16xi32>
    %shift_right_arithmetic3A_256 = arith.constant 14 : i32
    %shift_right_arithmetic3A_257 = vector.broadcast %shift_right_arithmetic3A_256 : i32 to vector<16xi32>
    %shift_right_arithmetic3A_258 = arith.shrsi %get3A_255, %shift_right_arithmetic3A_257 : vector<16xi32>
    %shift_left3A_259 = arith.constant 12 : i32
    %shift_left3A_260 = vector.broadcast %shift_left3A_259 : i32 to vector<16xi32>
    %shift_left3A_261 = arith.shli %shift_right_arithmetic3A_258, %shift_left3A_260 : vector<16xi32>
    %and3A_262 = arith.constant 4095 : i32
    %and3A_263 = vector.broadcast %and3A_262 : i32 to vector<16xi32>
    %and3A_264 = arith.andi %get3A_255, %and3A_263 : vector<16xi32>
    %or3A_265 = arith.ori %shift_left3A_261, %and3A_264 : vector<16xi32>
    %swap3A_266 = arith.constant 0 : i32
    %swap3A_267 = arith.index_cast %swap3A_266 : i32 to index
    %swap3A_268 = arith.constant 96 : index
    %swap3A_269 = tpu.vector_load %arg8[%swap3A_267, %swap3A_268] {strides = array<i32>} : memref<4x128xi32, #tpu.memory_space<vmem>>, vector<1x16xi32>,
    %swap3A_270 = vector.shape_cast %swap3A_269 : vector<1x16xi32> to vector<16xi32>
    %swap3A_271 = vector.shape_cast %or3A_265 : vector<16xi32> to vector<1x16xi32>
    tpu.vector_store %arg8[%swap3A_267, %swap3A_268], %swap3A_271 {strides = array<i32>} : memref<4x128xi32, #tpu.memory_space<vmem>>, vector<1x16xi32>,
    %get3A_272 = arith.constant 0 : i32
    %get3A_273 = arith.index_cast %get3A_272 : i32 to index
    %get3A_274 = arith.constant 96 : index
    %get3A_275 = tpu.vector_load %arg9[%get3A_273, %get3A_274] {strides = array<i32>} : memref<4x128xi32, #tpu.memory_space<vmem>>, vector<1x16xi32>,
    %get3A_276 = vector.shape_cast %get3A_275 : vector<1x16xi32> to vector<16xi32>
    %shift_right_arithmetic3A_277 = arith.constant 14 : i32
    %shift_right_arithmetic3A_278 = vector.broadcast %shift_right_arithmetic3A_277 : i32 to vector<16xi32>
    %shift_right_arithmetic3A_279 = arith.shrsi %get3A_276, %shift_right_arithmetic3A_278 : vector<16xi32>
    %shift_left3A_280 = arith.constant 10 : i32
    %shift_left3A_281 = vector.broadcast %shift_left3A_280 : i32 to vector<16xi32>
    %shift_left3A_282 = arith.shli %shift_right_arithmetic3A_279, %shift_left3A_281 : vector<16xi32>
    %and3A_283 = arith.constant 1023 : i32
    %and3A_284 = vector.broadcast %and3A_283 : i32 to vector<16xi32>
    %and3A_285 = arith.andi %get3A_276, %and3A_284 : vector<16xi32>
    %or3A_286 = arith.ori %shift_left3A_282, %and3A_285 : vector<16xi32>
    %swap3A_287 = arith.constant 0 : i32
    %swap3A_288 = arith.index_cast %swap3A_287 : i32 to index
    %swap3A_289 = arith.constant 96 : index
    %swap3A_290 = tpu.vector_load %arg9[%swap3A_288, %swap3A_289] {strides = array<i32>} : memref<4x128xi32, #tpu.memory_space<vmem>>, vector<1x16xi32>,
    %swap3A_291 = vector.shape_cast %swap3A_290 : vector<1x16xi32> to vector<16xi32>
    %swap3A_292 = vector.shape_cast %or3A_286 : vector<16xi32> to vector<1x16xi32>
    tpu.vector_store %arg9[%swap3A_288, %swap3A_289], %swap3A_292 {strides = array<i32>} : memref<4x128xi32, #tpu.memory_space<vmem>>, vector<1x16xi32>,
    %get3A_293 = arith.constant 0 : i32
    %get3A_294 = arith.index_cast %get3A_293 : i32 to index
    %get3A_295 = arith.constant 112 : index
    %get3A_296 = tpu.vector_load %arg8[%get3A_294, %get3A_295] {strides = array<i32>} : memref<4x128xi32, #tpu.memory_space<vmem>>, vector<1x16xi32>,
    %get3A_297 = vector.shape_cast %get3A_296 : vector<1x16xi32> to vector<16xi32>
    %shift_right_arithmetic3A_298 = arith.constant 14 : i32
    %shift_right_arithmetic3A_299 = vector.broadcast %shift_right_arithmetic3A_298 : i32 to vector<16xi32>
    %shift_right_arithmetic3A_300 = arith.shrsi %get3A_297, %shift_right_arithmetic3A_299 : vector<16xi32>
    %shift_left3A_301 = arith.constant 12 : i32
    %shift_left3A_302 = vector.broadcast %shift_left3A_301 : i32 to vector<16xi32>
    %shift_left3A_303 = arith.shli %shift_right_arithmetic3A_300, %shift_left3A_302 : vector<16xi32>
    %and3A_304 = arith.constant 4095 : i32
    %and3A_305 = vector.broadcast %and3A_304 : i32 to vector<16xi32>
    %and3A_306 = arith.andi %get3A_297, %and3A_305 : vector<16xi32>
    %or3A_307 = arith.ori %shift_left3A_303, %and3A_306 : vector<16xi32>
    %swap3A_308 = arith.constant 0 : i32
    %swap3A_309 = arith.index_cast %swap3A_308 : i32 to index
    %swap3A_310 = arith.constant 112 : index
    %swap3A_311 = tpu.vector_load %arg8[%swap3A_309, %swap3A_310] {strides = array<i32>} : memref<4x128xi32, #tpu.memory_space<vmem>>, vector<1x16xi32>,
    %swap3A_312 = vector.shape_cast %swap3A_311 : vector<1x16xi32> to vector<16xi32>
    %swap3A_313 = vector.shape_cast %or3A_307 : vector<16xi32> to vector<1x16xi32>
    tpu.vector_store %arg8[%swap3A_309, %swap3A_310], %swap3A_313 {strides = array<i32>} : memref<4x128xi32, #tpu.memory_space<vmem>>, vector<1x16xi32>,
    %get3A_314 = arith.constant 0 : i32
    %get3A_315 = arith.index_cast %get3A_314 : i32 to index
    %get3A_316 = arith.constant 112 : index
    %get3A_317 = tpu.vector_load %arg9[%get3A_315, %get3A_316] {strides = array<i32>} : memref<4x128xi32, #tpu.memory_space<vmem>>, vector<1x16xi32>,
    %get3A_318 = vector.shape_cast %get3A_317 : vector<1x16xi32> to vector<16xi32>
    %shift_right_arithmetic3A_319 = arith.constant 14 : i32
    %shift_right_arithmetic3A_320 = vector.broadcast %shift_right_arithmetic3A_319 : i32 to vector<16xi32>
    %shift_right_arithmetic3A_321 = arith.shrsi %get3A_318, %shift_right_arithmetic3A_320 : vector<16xi32>
    %shift_left3A_322 = arith.constant 10 : i32
    %shift_left3A_323 = vector.broadcast %shift_left3A_322 : i32 to vector<16xi32>
    %shift_left3A_324 = arith.shli %shift_right_arithmetic3A_321, %shift_left3A_323 : vector<16xi32>
    %and3A_325 = arith.constant 1023 : i32
    %and3A_326 = vector.broadcast %and3A_325 : i32 to vector<16xi32>
    %and3A_327 = arith.andi %get3A_318, %and3A_326 : vector<16xi32>
    %or3A_328 = arith.ori %shift_left3A_324, %and3A_327 : vector<16xi32>
    %swap3A_329 = arith.constant 0 : i32
    %swap3A_330 = arith.index_cast %swap3A_329 : i32 to index
    %swap3A_331 = arith.constant 112 : index
    %swap3A_332 = tpu.vector_load %arg9[%swap3A_330, %swap3A_331] {strides = array<i32>} : memref<4x128xi32, #tpu.memory_space<vmem>>, vector<1x16xi32>,
    %swap3A_333 = vector.shape_cast %swap3A_332 : vector<1x16xi32> to vector<16xi32>
    %swap3A_334 = vector.shape_cast %or3A_328 : vector<16xi32> to vector<1x16xi32>
    tpu.vector_store %arg9[%swap3A_330, %swap3A_331], %swap3A_334 {strides = array<i32>} : memref<4x128xi32, #tpu.memory_space<vmem>>, vector<1x16xi32>,
    %get3A_335 = arith.constant 1 : i32
    %get3A_336 = arith.index_cast %get3A_335 : i32 to index
    %get3A_337 = arith.constant 0 : index
    %get3A_338 = tpu.vector_load %arg8[%get3A_336, %get3A_337] {strides = array<i32>} : memref<4x128xi32, #tpu.memory_space<vmem>>, vector<1x16xi32>,
    %get3A_339 = vector.shape_cast %get3A_338 : vector<1x16xi32> to vector<16xi32>
    %shift_right_arithmetic3A_340 = arith.constant 14 : i32
    %shift_right_arithmetic3A_341 = vector.broadcast %shift_right_arithmetic3A_340 : i32 to vector<16xi32>
    %shift_right_arithmetic3A_342 = arith.shrsi %get3A_339, %shift_right_arithmetic3A_341 : vector<16xi32>
    %shift_left3A_343 = arith.constant 12 : i32
    %shift_left3A_344 = vector.broadcast %shift_left3A_343 : i32 to vector<16xi32>
    %shift_left3A_345 = arith.shli %shift_right_arithmetic3A_342, %shift_left3A_344 : vector<16xi32>
    %and3A_346 = arith.constant 4095 : i32
    %and3A_347 = vector.broadcast %and3A_346 : i32 to vector<16xi32>
    %and3A_348 = arith.andi %get3A_339, %and3A_347 : vector<16xi32>
    %or3A_349 = arith.ori %shift_left3A_345, %and3A_348 : vector<16xi32>
    %swap3A_350 = arith.constant 1 : i32
    %swap3A_351 = arith.index_cast %swap3A_350 : i32 to index
    %swap3A_352 = arith.constant 0 : index
    %swap3A_353 = tpu.vector_load %arg8[%swap3A_351, %swap3A_352] {strides = array<i32>} : memref<4x128xi32, #tpu.memory_space<vmem>>, vector<1x16xi32>,
    %swap3A_354 = vector.shape_cast %swap3A_353 : vector<1x16xi32> to vector<16xi32>
    %swap3A_355 = vector.shape_cast %or3A_349 : vector<16xi32> to vector<1x16xi32>
    tpu.vector_store %arg8[%swap3A_351, %swap3A_352], %swap3A_355 {strides = array<i32>} : memref<4x128xi32, #tpu.memory_space<vmem>>, vector<1x16xi32>,
    %get3A_356 = arith.constant 1 : i32
    %get3A_357 = arith.index_cast %get3A_356 : i32 to index
    %get3A_358 = arith.constant 0 : index
    %get3A_359 = tpu.vector_load %arg9[%get3A_357, %get3A_358] {strides = array<i32>} : memref<4x128xi32, #tpu.memory_space<vmem>>, vector<1x16xi32>,
    %get3A_360 = vector.shape_cast %get3A_359 : vector<1x16xi32> to vector<16xi32>
    %shift_right_arithmetic3A_361 = arith.constant 14 : i32
    %shift_right_arithmetic3A_362 = vector.broadcast %shift_right_arithmetic3A_361 : i32 to vector<16xi32>
    %shift_right_arithmetic3A_363 = arith.shrsi %get3A_360, %shift_right_arithmetic3A_362 : vector<16xi32>
    %shift_left3A_364 = arith.constant 10 : i32
    %shift_left3A_365 = vector.broadcast %shift_left3A_364 : i32 to vector<16xi32>
    %shift_left3A_366 = arith.shli %shift_right_arithmetic3A_363, %shift_left3A_365 : vector<16xi32>
    %and3A_367 = arith.constant 1023 : i32
    %and3A_368 = vector.broadcast %and3A_367 : i32 to vector<16xi32>
    %and3A_369 = arith.andi %get3A_360, %and3A_368 : vector<16xi32>
    %or3A_370 = arith.ori %shift_left3A_366, %and3A_369 : vector<16xi32>
    %swap3A_371 = arith.constant 1 : i32
    %swap3A_372 = arith.index_cast %swap3A_371 : i32 to index
    %swap3A_373 = arith.constant 0 : index
    %swap3A_374 = tpu.vector_load %arg9[%swap3A_372, %swap3A_373] {strides = array<i32>} : memref<4x128xi32, #tpu.memory_space<vmem>>, vector<1x16xi32>,
    %swap3A_375 = vector.shape_cast %swap3A_374 : vector<1x16xi32> to vector<16xi32>
    %swap3A_376 = vector.shape_cast %or3A_370 : vector<16xi32> to vector<1x16xi32>
    tpu.vector_store %arg9[%swap3A_372, %swap3A_373], %swap3A_376 {strides = array<i32>} : memref<4x128xi32, #tpu.memory_space<vmem>>, vector<1x16xi32>,
    %get3A_377 = arith.constant 1 : i32
    %get3A_378 = arith.index_cast %get3A_377 : i32 to index
    %get3A_379 = arith.constant 16 : index
    %get3A_380 = tpu.vector_load %arg8[%get3A_378, %get3A_379] {strides = array<i32>} : memref<4x128xi32, #tpu.memory_space<vmem>>, vector<1x16xi32>,
    %get3A_381 = vector.shape_cast %get3A_380 : vector<1x16xi32> to vector<16xi32>
    %shift_right_arithmetic3A_382 = arith.constant 14 : i32
    %shift_right_arithmetic3A_383 = vector.broadcast %shift_right_arithmetic3A_382 : i32 to vector<16xi32>
    %shift_right_arithmetic3A_384 = arith.shrsi %get3A_381, %shift_right_arithmetic3A_383 : vector<16xi32>
    %shift_left3A_385 = arith.constant 12 : i32
    %shift_left3A_386 = vector.broadcast %shift_left3A_385 : i32 to vector<16xi32>
    %shift_left3A_387 = arith.shli %shift_right_arithmetic3A_384, %shift_left3A_386 : vector<16xi32>
    %and3A_388 = arith.constant 4095 : i32
    %and3A_389 = vector.broadcast %and3A_388 : i32 to vector<16xi32>
    %and3A_390 = arith.andi %get3A_381, %and3A_389 : vector<16xi32>
    %or3A_391 = arith.ori %shift_left3A_387, %and3A_390 : vector<16xi32>
    %swap3A_392 = arith.constant 1 : i32
    %swap3A_393 = arith.index_cast %swap3A_392 : i32 to index
    %swap3A_394 = arith.constant 16 : index
    %swap3A_395 = tpu.vector_load %arg8[%swap3A_393, %swap3A_394] {strides = array<i32>} : memref<4x128xi32, #tpu.memory_space<vmem>>, vector<1x16xi32>,
    %swap3A_396 = vector.shape_cast %swap3A_395 : vector<1x16xi32> to vector<16xi32>
    %swap3A_397 = vector.shape_cast %or3A_391 : vector<16xi32> to vector<1x16xi32>
    tpu.vector_store %arg8[%swap3A_393, %swap3A_394], %swap3A_397 {strides = array<i32>} : memref<4x128xi32, #tpu.memory_space<vmem>>, vector<1x16xi32>,
    %get3A_398 = arith.constant 1 : i32
    %get3A_399 = arith.index_cast %get3A_398 : i32 to index
    %get3A_400 = arith.constant 16 : index
    %get3A_401 = tpu.vector_load %arg9[%get3A_399, %get3A_400] {strides = array<i32>} : memref<4x128xi32, #tpu.memory_space<vmem>>, vector<1x16xi32>,
    %get3A_402 = vector.shape_cast %get3A_401 : vector<1x16xi32> to vector<16xi32>
    %shift_right_arithmetic3A_403 = arith.constant 14 : i32
    %shift_right_arithmetic3A_404 = vector.broadcast %shift_right_arithmetic3A_403 : i32 to vector<16xi32>
    %shift_right_arithmetic3A_405 = arith.shrsi %get3A_402, %shift_right_arithmetic3A_404 : vector<16xi32>
    %shift_left3A_406 = arith.constant 10 : i32
    %shift_left3A_407 = vector.broadcast %shift_left3A_406 : i32 to vector<16xi32>
    %shift_left3A_408 = arith.shli %shift_right_arithmetic3A_405, %shift_left3A_407 : vector<16xi32>
    %and3A_409 = arith.constant 1023 : i32
    %and3A_410 = vector.broadcast %and3A_409 : i32 to vector<16xi32>
    %and3A_411 = arith.andi %get3A_402, %and3A_410 : vector<16xi32>
    %or3A_412 = arith.ori %shift_left3A_408, %and3A_411 : vector<16xi32>
    %swap3A_413 = arith.constant 1 : i32
    %swap3A_414 = arith.index_cast %swap3A_413 : i32 to index
    %swap3A_415 = arith.constant 16 : index
    %swap3A_416 = tpu.vector_load %arg9[%swap3A_414, %swap3A_415] {strides = array<i32>} : memref<4x128xi32, #tpu.memory_space<vmem>>, vector<1x16xi32>,
    %swap3A_417 = vector.shape_cast %swap3A_416 : vector<1x16xi32> to vector<16xi32>
    %swap3A_418 = vector.shape_cast %or3A_412 : vector<16xi32> to vector<1x16xi32>
    tpu.vector_store %arg9[%swap3A_414, %swap3A_415], %swap3A_418 {strides = array<i32>} : memref<4x128xi32, #tpu.memory_space<vmem>>, vector<1x16xi32>,
    %get3A_419 = arith.constant 1 : i32
    %get3A_420 = arith.index_cast %get3A_419 : i32 to index
    %get3A_421 = arith.constant 32 : index
    %get3A_422 = tpu.vector_load %arg8[%get3A_420, %get3A_421] {strides = array<i32>} : memref<4x128xi32, #tpu.memory_space<vmem>>, vector<1x16xi32>,
    %get3A_423 = vector.shape_cast %get3A_422 : vector<1x16xi32> to vector<16xi32>
    %shift_right_arithmetic3A_424 = arith.constant 14 : i32
    %shift_right_arithmetic3A_425 = vector.broadcast %shift_right_arithmetic3A_424 : i32 to vector<16xi32>
    %shift_right_arithmetic3A_426 = arith.shrsi %get3A_423, %shift_right_arithmetic3A_425 : vector<16xi32>
    %shift_left3A_427 = arith.constant 12 : i32
    %shift_left3A_428 = vector.broadcast %shift_left3A_427 : i32 to vector<16xi32>
    %shift_left3A_429 = arith.shli %shift_right_arithmetic3A_426, %shift_left3A_428 : vector<16xi32>
    %and3A_430 = arith.constant 4095 : i32
    %and3A_431 = vector.broadcast %and3A_430 : i32 to vector<16xi32>
    %and3A_432 = arith.andi %get3A_423, %and3A_431 : vector<16xi32>
    %or3A_433 = arith.ori %shift_left3A_429, %and3A_432 : vector<16xi32>
    %swap3A_434 = arith.constant 1 : i32
    %swap3A_435 = arith.index_cast %swap3A_434 : i32 to index
    %swap3A_436 = arith.constant 32 : index
    %swap3A_437 = tpu.vector_load %arg8[%swap3A_435, %swap3A_436] {strides = array<i32>} : memref<4x128xi32, #tpu.memory_space<vmem>>, vector<1x16xi32>,
    %swap3A_438 = vector.shape_cast %swap3A_437 : vector<1x16xi32> to vector<16xi32>
    %swap3A_439 = vector.shape_cast %or3A_433 : vector<16xi32> to vector<1x16xi32>
    tpu.vector_store %arg8[%swap3A_435, %swap3A_436], %swap3A_439 {strides = array<i32>} : memref<4x128xi32, #tpu.memory_space<vmem>>, vector<1x16xi32>,
    %get3A_440 = arith.constant 1 : i32
    %get3A_441 = arith.index_cast %get3A_440 : i32 to index
    %get3A_442 = arith.constant 32 : index
    %get3A_443 = tpu.vector_load %arg9[%get3A_441, %get3A_442] {strides = array<i32>} : memref<4x128xi32, #tpu.memory_space<vmem>>, vector<1x16xi32>,
    %get3A_444 = vector.shape_cast %get3A_443 : vector<1x16xi32> to vector<16xi32>
    %shift_right_arithmetic3A_445 = arith.constant 14 : i32
    %shift_right_arithmetic3A_446 = vector.broadcast %shift_right_arithmetic3A_445 : i32 to vector<16xi32>
    %shift_right_arithmetic3A_447 = arith.shrsi %get3A_444, %shift_right_arithmetic3A_446 : vector<16xi32>
    %shift_left3A_448 = arith.constant 10 : i32
    %shift_left3A_449 = vector.broadcast %shift_left3A_448 : i32 to vector<16xi32>
    %shift_left3A_450 = arith.shli %shift_right_arithmetic3A_447, %shift_left3A_449 : vector<16xi32>
    %and3A_451 = arith.constant 1023 : i32
    %and3A_452 = vector.broadcast %and3A_451 : i32 to vector<16xi32>
    %and3A_453 = arith.andi %get3A_444, %and3A_452 : vector<16xi32>
    %or3A_454 = arith.ori %shift_left3A_450, %and3A_453 : vector<16xi32>
    %swap3A_455 = arith.constant 1 : i32
    %swap3A_456 = arith.index_cast %swap3A_455 : i32 to index
    %swap3A_457 = arith.constant 32 : index
    %swap3A_458 = tpu.vector_load %arg9[%swap3A_456, %swap3A_457] {strides = array<i32>} : memref<4x128xi32, #tpu.memory_space<vmem>>, vector<1x16xi32>,
    %swap3A_459 = vector.shape_cast %swap3A_458 : vector<1x16xi32> to vector<16xi32>
    %swap3A_460 = vector.shape_cast %or3A_454 : vector<16xi32> to vector<1x16xi32>
    tpu.vector_store %arg9[%swap3A_456, %swap3A_457], %swap3A_460 {strides = array<i32>} : memref<4x128xi32, #tpu.memory_space<vmem>>, vector<1x16xi32>,
    %get3A_461 = arith.constant 1 : i32
    %get3A_462 = arith.index_cast %get3A_461 : i32 to index
    %get3A_463 = arith.constant 48 : index
    %get3A_464 = tpu.vector_load %arg8[%get3A_462, %get3A_463] {strides = array<i32>} : memref<4x128xi32, #tpu.memory_space<vmem>>, vector<1x16xi32>,
    %get3A_465 = vector.shape_cast %get3A_464 : vector<1x16xi32> to vector<16xi32>
    %shift_right_arithmetic3A_466 = arith.constant 14 : i32
    %shift_right_arithmetic3A_467 = vector.broadcast %shift_right_arithmetic3A_466 : i32 to vector<16xi32>
    %shift_right_arithmetic3A_468 = arith.shrsi %get3A_465, %shift_right_arithmetic3A_467 : vector<16xi32>
    %shift_left3A_469 = arith.constant 12 : i32
    %shift_left3A_470 = vector.broadcast %shift_left3A_469 : i32 to vector<16xi32>
    %shift_left3A_471 = arith.shli %shift_right_arithmetic3A_468, %shift_left3A_470 : vector<16xi32>
    %and3A_472 = arith.constant 4095 : i32
    %and3A_473 = vector.broadcast %and3A_472 : i32 to vector<16xi32>
    %and3A_474 = arith.andi %get3A_465, %and3A_473 : vector<16xi32>
    %or3A_475 = arith.ori %shift_left3A_471, %and3A_474 : vector<16xi32>
    %swap3A_476 = arith.constant 1 : i32
    %swap3A_477 = arith.index_cast %swap3A_476 : i32 to index
    %swap3A_478 = arith.constant 48 : index
    %swap3A_479 = tpu.vector_load %arg8[%swap3A_477, %swap3A_478] {strides = array<i32>} : memref<4x128xi32, #tpu.memory_space<vmem>>, vector<1x16xi32>,
    %swap3A_480 = vector.shape_cast %swap3A_479 : vector<1x16xi32> to vector<16xi32>
    %swap3A_481 = vector.shape_cast %or3A_475 : vector<16xi32> to vector<1x16xi32>
    tpu.vector_store %arg8[%swap3A_477, %swap3A_478], %swap3A_481 {strides = array<i32>} : memref<4x128xi32, #tpu.memory_space<vmem>>, vector<1x16xi32>,
    %get3A_482 = arith.constant 1 : i32
    %get3A_483 = arith.index_cast %get3A_482 : i32 to index
    %get3A_484 = arith.constant 48 : index
    %get3A_485 = tpu.vector_load %arg9[%get3A_483, %get3A_484] {strides = array<i32>} : memref<4x128xi32, #tpu.memory_space<vmem>>, vector<1x16xi32>,
    %get3A_486 = vector.shape_cast %get3A_485 : vector<1x16xi32> to vector<16xi32>
    %shift_right_arithmetic3A_487 = arith.constant 14 : i32
    %shift_right_arithmetic3A_488 = vector.broadcast %shift_right_arithmetic3A_487 : i32 to vector<16xi32>
    %shift_right_arithmetic3A_489 = arith.shrsi %get3A_486, %shift_right_arithmetic3A_488 : vector<16xi32>
    %shift_left3A_490 = arith.constant 10 : i32
    %shift_left3A_491 = vector.broadcast %shift_left3A_490 : i32 to vector<16xi32>
    %shift_left3A_492 = arith.shli %shift_right_arithmetic3A_489, %shift_left3A_491 : vector<16xi32>
    %and3A_493 = arith.constant 1023 : i32
    %and3A_494 = vector.broadcast %and3A_493 : i32 to vector<16xi32>
    %and3A_495 = arith.andi %get3A_486, %and3A_494 : vector<16xi32>
    %or3A_496 = arith.ori %shift_left3A_492, %and3A_495 : vector<16xi32>
    %swap3A_497 = arith.constant 1 : i32
    %swap3A_498 = arith.index_cast %swap3A_497 : i32 to index
    %swap3A_499 = arith.constant 48 : index
    %swap3A_500 = tpu.vector_load %arg9[%swap3A_498, %swap3A_499] {strides = array<i32>} : memref<4x128xi32, #tpu.memory_space<vmem>>, vector<1x16xi32>,
    %swap3A_501 = vector.shape_cast %swap3A_500 : vector<1x16xi32> to vector<16xi32>
    %swap3A_502 = vector.shape_cast %or3A_496 : vector<16xi32> to vector<1x16xi32>
    tpu.vector_store %arg9[%swap3A_498, %swap3A_499], %swap3A_502 {strides = array<i32>} : memref<4x128xi32, #tpu.memory_space<vmem>>, vector<1x16xi32>,
    %get3A_503 = arith.constant 1 : i32
    %get3A_504 = arith.index_cast %get3A_503 : i32 to index
    %get3A_505 = arith.constant 64 : index
    %get3A_506 = tpu.vector_load %arg8[%get3A_504, %get3A_505] {strides = array<i32>} : memref<4x128xi32, #tpu.memory_space<vmem>>, vector<1x16xi32>,
    %get3A_507 = vector.shape_cast %get3A_506 : vector<1x16xi32> to vector<16xi32>
    %shift_right_arithmetic3A_508 = arith.constant 14 : i32
    %shift_right_arithmetic3A_509 = vector.broadcast %shift_right_arithmetic3A_508 : i32 to vector<16xi32>
    %shift_right_arithmetic3A_510 = arith.shrsi %get3A_507, %shift_right_arithmetic3A_509 : vector<16xi32>
    %shift_left3A_511 = arith.constant 12 : i32
    %shift_left3A_512 = vector.broadcast %shift_left3A_511 : i32 to vector<16xi32>
    %shift_left3A_513 = arith.shli %shift_right_arithmetic3A_510, %shift_left3A_512 : vector<16xi32>
    %and3A_514 = arith.constant 4095 : i32
    %and3A_515 = vector.broadcast %and3A_514 : i32 to vector<16xi32>
    %and3A_516 = arith.andi %get3A_507, %and3A_515 : vector<16xi32>
    %or3A_517 = arith.ori %shift_left3A_513, %and3A_516 : vector<16xi32>
    %swap3A_518 = arith.constant 1 : i32
    %swap3A_519 = arith.index_cast %swap3A_518 : i32 to index
    %swap3A_520 = arith.constant 64 : index
    %swap3A_521 = tpu.vector_load %arg8[%swap3A_519, %swap3A_520] {strides = array<i32>} : memref<4x128xi32, #tpu.memory_space<vmem>>, vector<1x16xi32>,
    %swap3A_522 = vector.shape_cast %swap3A_521 : vector<1x16xi32> to vector<16xi32>
    %swap3A_523 = vector.shape_cast %or3A_517 : vector<16xi32> to vector<1x16xi32>
    tpu.vector_store %arg8[%swap3A_519, %swap3A_520], %swap3A_523 {strides = array<i32>} : memref<4x128xi32, #tpu.memory_space<vmem>>, vector<1x16xi32>,
    %get3A_524 = arith.constant 1 : i32
    %get3A_525 = arith.index_cast %get3A_524 : i32 to index
    %get3A_526 = arith.constant 64 : index
    %get3A_527 = tpu.vector_load %arg9[%get3A_525, %get3A_526] {strides = array<i32>} : memref<4x128xi32, #tpu.memory_space<vmem>>, vector<1x16xi32>,
    %get3A_528 = vector.shape_cast %get3A_527 : vector<1x16xi32> to vector<16xi32>
    %shift_right_arithmetic3A_529 = arith.constant 14 : i32
    %shift_right_arithmetic3A_530 = vector.broadcast %shift_right_arithmetic3A_529 : i32 to vector<16xi32>
    %shift_right_arithmetic3A_531 = arith.shrsi %get3A_528, %shift_right_arithmetic3A_530 : vector<16xi32>
    %shift_left3A_532 = arith.constant 10 : i32
    %shift_left3A_533 = vector.broadcast %shift_left3A_532 : i32 to vector<16xi32>
    %shift_left3A_534 = arith.shli %shift_right_arithmetic3A_531, %shift_left3A_533 : vector<16xi32>
    %and3A_535 = arith.constant 1023 : i32
    %and3A_536 = vector.broadcast %and3A_535 : i32 to vector<16xi32>
    %and3A_537 = arith.andi %get3A_528, %and3A_536 : vector<16xi32>
    %or3A_538 = arith.ori %shift_left3A_534, %and3A_537 : vector<16xi32>
    %swap3A_539 = arith.constant 1 : i32
    %swap3A_540 = arith.index_cast %swap3A_539 : i32 to index
    %swap3A_541 = arith.constant 64 : index
    %swap3A_542 = tpu.vector_load %arg9[%swap3A_540, %swap3A_541] {strides = array<i32>} : memref<4x128xi32, #tpu.memory_space<vmem>>, vector<1x16xi32>,
    %swap3A_543 = vector.shape_cast %swap3A_542 : vector<1x16xi32> to vector<16xi32>
    %swap3A_544 = vector.shape_cast %or3A_538 : vector<16xi32> to vector<1x16xi32>
    tpu.vector_store %arg9[%swap3A_540, %swap3A_541], %swap3A_544 {strides = array<i32>} : memref<4x128xi32, #tpu.memory_space<vmem>>, vector<1x16xi32>,
    %get3A_545 = arith.constant 1 : i32
    %get3A_546 = arith.index_cast %get3A_545 : i32 to index
    %get3A_547 = arith.constant 80 : index
    %get3A_548 = tpu.vector_load %arg8[%get3A_546, %get3A_547] {strides = array<i32>} : memref<4x128xi32, #tpu.memory_space<vmem>>, vector<1x16xi32>,
    %get3A_549 = vector.shape_cast %get3A_548 : vector<1x16xi32> to vector<16xi32>
    %shift_right_arithmetic3A_550 = arith.constant 14 : i32
    %shift_right_arithmetic3A_551 = vector.broadcast %shift_right_arithmetic3A_550 : i32 to vector<16xi32>
    %shift_right_arithmetic3A_552 = arith.shrsi %get3A_549, %shift_right_arithmetic3A_551 : vector<16xi32>
    %shift_left3A_553 = arith.constant 12 : i32
    %shift_left3A_554 = vector.broadcast %shift_left3A_553 : i32 to vector<16xi32>
    %shift_left3A_555 = arith.shli %shift_right_arithmetic3A_552, %shift_left3A_554 : vector<16xi32>
    %and3A_556 = arith.constant 4095 : i32
    %and3A_557 = vector.broadcast %and3A_556 : i32 to vector<16xi32>
    %and3A_558 = arith.andi %get3A_549, %and3A_557 : vector<16xi32>
    %or3A_559 = arith.ori %shift_left3A_555, %and3A_558 : vector<16xi32>
    %swap3A_560 = arith.constant 1 : i32
    %swap3A_561 = arith.index_cast %swap3A_560 : i32 to index
    %swap3A_562 = arith.constant 80 : index
    %swap3A_563 = tpu.vector_load %arg8[%swap3A_561, %swap3A_562] {strides = array<i32>} : memref<4x128xi32, #tpu.memory_space<vmem>>, vector<1x16xi32>,
    %swap3A_564 = vector.shape_cast %swap3A_563 : vector<1x16xi32> to vector<16xi32>
    %swap3A_565 = vector.shape_cast %or3A_559 : vector<16xi32> to vector<1x16xi32>
    tpu.vector_store %arg8[%swap3A_561, %swap3A_562], %swap3A_565 {strides = array<i32>} : memref<4x128xi32, #tpu.memory_space<vmem>>, vector<1x16xi32>,
    %get3A_566 = arith.constant 1 : i32
    %get3A_567 = arith.index_cast %get3A_566 : i32 to index
    %get3A_568 = arith.constant 80 : index
    %get3A_569 = tpu.vector_load %arg9[%get3A_567, %get3A_568] {strides = array<i32>} : memref<4x128xi32, #tpu.memory_space<vmem>>, vector<1x16xi32>,
    %get3A_570 = vector.shape_cast %get3A_569 : vector<1x16xi32> to vector<16xi32>
    %shift_right_arithmetic3A_571 = arith.constant 14 : i32
    %shift_right_arithmetic3A_572 = vector.broadcast %shift_right_arithmetic3A_571 : i32 to vector<16xi32>
    %shift_right_arithmetic3A_573 = arith.shrsi %get3A_570, %shift_right_arithmetic3A_572 : vector<16xi32>
    %shift_left3A_574 = arith.constant 10 : i32
    %shift_left3A_575 = vector.broadcast %shift_left3A_574 : i32 to vector<16xi32>
    %shift_left3A_576 = arith.shli %shift_right_arithmetic3A_573, %shift_left3A_575 : vector<16xi32>
    %and3A_577 = arith.constant 1023 : i32
    %and3A_578 = vector.broadcast %and3A_577 : i32 to vector<16xi32>
    %and3A_579 = arith.andi %get3A_570, %and3A_578 : vector<16xi32>
    %or3A_580 = arith.ori %shift_left3A_576, %and3A_579 : vector<16xi32>
    %swap3A_581 = arith.constant 1 : i32
    %swap3A_582 = arith.index_cast %swap3A_581 : i32 to index
    %swap3A_583 = arith.constant 80 : index
    %swap3A_584 = tpu.vector_load %arg9[%swap3A_582, %swap3A_583] {strides = array<i32>} : memref<4x128xi32, #tpu.memory_space<vmem>>, vector<1x16xi32>,
    %swap3A_585 = vector.shape_cast %swap3A_584 : vector<1x16xi32> to vector<16xi32>
    %swap3A_586 = vector.shape_cast %or3A_580 : vector<16xi32> to vector<1x16xi32>
    tpu.vector_store %arg9[%swap3A_582, %swap3A_583], %swap3A_586 {strides = array<i32>} : memref<4x128xi32, #tpu.memory_space<vmem>>, vector<1x16xi32>,
    %get3A_587 = arith.constant 1 : i32
    %get3A_588 = arith.index_cast %get3A_587 : i32 to index
    %get3A_589 = arith.constant 96 : index
    %get3A_590 = tpu.vector_load %arg8[%get3A_588, %get3A_589] {strides = array<i32>} : memref<4x128xi32, #tpu.memory_space<vmem>>, vector<1x16xi32>,
    %get3A_591 = vector.shape_cast %get3A_590 : vector<1x16xi32> to vector<16xi32>
    %shift_right_arithmetic3A_592 = arith.constant 14 : i32
    %shift_right_arithmetic3A_593 = vector.broadcast %shift_right_arithmetic3A_592 : i32 to vector<16xi32>
    %shift_right_arithmetic3A_594 = arith.shrsi %get3A_591, %shift_right_arithmetic3A_593 : vector<16xi32>
    %shift_left3A_595 = arith.constant 12 : i32
    %shift_left3A_596 = vector.broadcast %shift_left3A_595 : i32 to vector<16xi32>
    %shift_left3A_597 = arith.shli %shift_right_arithmetic3A_594, %shift_left3A_596 : vector<16xi32>
    %and3A_598 = arith.constant 4095 : i32
    %and3A_599 = vector.broadcast %and3A_598 : i32 to vector<16xi32>
    %and3A_600 = arith.andi %get3A_591, %and3A_599 : vector<16xi32>
    %or3A_601 = arith.ori %shift_left3A_597, %and3A_600 : vector<16xi32>
    %swap3A_602 = arith.constant 1 : i32
    %swap3A_603 = arith.index_cast %swap3A_602 : i32 to index
    %swap3A_604 = arith.constant 96 : index
    %swap3A_605 = tpu.vector_load %arg8[%swap3A_603, %swap3A_604] {strides = array<i32>} : memref<4x128xi32, #tpu.memory_space<vmem>>, vector<1x16xi32>,
    %swap3A_606 = vector.shape_cast %swap3A_605 : vector<1x16xi32> to vector<16xi32>
    %swap3A_607 = vector.shape_cast %or3A_601 : vector<16xi32> to vector<1x16xi32>
    tpu.vector_store %arg8[%swap3A_603, %swap3A_604], %swap3A_607 {strides = array<i32>} : memref<4x128xi32, #tpu.memory_space<vmem>>, vector<1x16xi32>,
    %get3A_608 = arith.constant 1 : i32
    %get3A_609 = arith.index_cast %get3A_608 : i32 to index
    %get3A_610 = arith.constant 96 : index
    %get3A_611 = tpu.vector_load %arg9[%get3A_609, %get3A_610] {strides = array<i32>} : memref<4x128xi32, #tpu.memory_space<vmem>>, vector<1x16xi32>,
    %get3A_612 = vector.shape_cast %get3A_611 : vector<1x16xi32> to vector<16xi32>
    %shift_right_arithmetic3A_613 = arith.constant 14 : i32
    %shift_right_arithmetic3A_614 = vector.broadcast %shift_right_arithmetic3A_613 : i32 to vector<16xi32>
    %shift_right_arithmetic3A_615 = arith.shrsi %get3A_612, %shift_right_arithmetic3A_614 : vector<16xi32>
    %shift_left3A_616 = arith.constant 10 : i32
    %shift_left3A_617 = vector.broadcast %shift_left3A_616 : i32 to vector<16xi32>
    %shift_left3A_618 = arith.shli %shift_right_arithmetic3A_615, %shift_left3A_617 : vector<16xi32>
    %and3A_619 = arith.constant 1023 : i32
    %and3A_620 = vector.broadcast %and3A_619 : i32 to vector<16xi32>
    %and3A_621 = arith.andi %get3A_612, %and3A_620 : vector<16xi32>
    %or3A_622 = arith.ori %shift_left3A_618, %and3A_621 : vector<16xi32>
    %swap3A_623 = arith.constant 1 : i32
    %swap3A_624 = arith.index_cast %swap3A_623 : i32 to index
    %swap3A_625 = arith.constant 96 : index
    %swap3A_626 = tpu.vector_load %arg9[%swap3A_624, %swap3A_625] {strides = array<i32>} : memref<4x128xi32, #tpu.memory_space<vmem>>, vector<1x16xi32>,
    %swap3A_627 = vector.shape_cast %swap3A_626 : vector<1x16xi32> to vector<16xi32>
    %swap3A_628 = vector.shape_cast %or3A_622 : vector<16xi32> to vector<1x16xi32>
    tpu.vector_store %arg9[%swap3A_624, %swap3A_625], %swap3A_628 {strides = array<i32>} : memref<4x128xi32, #tpu.memory_space<vmem>>, vector<1x16xi32>,
    %get3A_629 = arith.constant 1 : i32
    %get3A_630 = arith.index_cast %get3A_629 : i32 to index
    %get3A_631 = arith.constant 112 : index
    %get3A_632 = tpu.vector_load %arg8[%get3A_630, %get3A_631] {strides = array<i32>} : memref<4x128xi32, #tpu.memory_space<vmem>>, vector<1x16xi32>,
    %get3A_633 = vector.shape_cast %get3A_632 : vector<1x16xi32> to vector<16xi32>
    %shift_right_arithmetic3A_634 = arith.constant 14 : i32
    %shift_right_arithmetic3A_635 = vector.broadcast %shift_right_arithmetic3A_634 : i32 to vector<16xi32>
    %shift_right_arithmetic3A_636 = arith.shrsi %get3A_633, %shift_right_arithmetic3A_635 : vector<16xi32>
    %shift_left3A_637 = arith.constant 12 : i32
    %shift_left3A_638 = vector.broadcast %shift_left3A_637 : i32 to vector<16xi32>
    %shift_left3A_639 = arith.shli %shift_right_arithmetic3A_636, %shift_left3A_638 : vector<16xi32>
    %and3A_640 = arith.constant 4095 : i32
    %and3A_641 = vector.broadcast %and3A_640 : i32 to vector<16xi32>
    %and3A_642 = arith.andi %get3A_633, %and3A_641 : vector<16xi32>
    %or3A_643 = arith.ori %shift_left3A_639, %and3A_642 : vector<16xi32>
    %swap3A_644 = arith.constant 1 : i32
    %swap3A_645 = arith.index_cast %swap3A_644 : i32 to index
    %swap3A_646 = arith.constant 112 : index
    %swap3A_647 = tpu.vector_load %arg8[%swap3A_645, %swap3A_646] {strides = array<i32>} : memref<4x128xi32, #tpu.memory_space<vmem>>, vector<1x16xi32>,
    %swap3A_648 = vector.shape_cast %swap3A_647 : vector<1x16xi32> to vector<16xi32>
    %swap3A_649 = vector.shape_cast %or3A_643 : vector<16xi32> to vector<1x16xi32>
    tpu.vector_store %arg8[%swap3A_645, %swap3A_646], %swap3A_649 {strides = array<i32>} : memref<4x128xi32, #tpu.memory_space<vmem>>, vector<1x16xi32>,
    %get3A_650 = arith.constant 1 : i32
    %get3A_651 = arith.index_cast %get3A_650 : i32 to index
    %get3A_652 = arith.constant 112 : index
    %get3A_653 = tpu.vector_load %arg9[%get3A_651, %get3A_652] {strides = array<i32>} : memref<4x128xi32, #tpu.memory_space<vmem>>, vector<1x16xi32>,
    %get3A_654 = vector.shape_cast %get3A_653 : vector<1x16xi32> to vector<16xi32>
    %shift_right_arithmetic3A_655 = arith.constant 14 : i32
    %shift_right_arithmetic3A_656 = vector.broadcast %shift_right_arithmetic3A_655 : i32 to vector<16xi32>
    %shift_right_arithmetic3A_657 = arith.shrsi %get3A_654, %shift_right_arithmetic3A_656 : vector<16xi32>
    %shift_left3A_658 = arith.constant 10 : i32
    %shift_left3A_659 = vector.broadcast %shift_left3A_658 : i32 to vector<16xi32>
    %shift_left3A_660 = arith.shli %shift_right_arithmetic3A_657, %shift_left3A_659 : vector<16xi32>
    %and3A_661 = arith.constant 1023 : i32
    %and3A_662 = vector.broadcast %and3A_661 : i32 to vector<16xi32>
    %and3A_663 = arith.andi %get3A_654, %and3A_662 : vector<16xi32>
    %or3A_664 = arith.ori %shift_left3A_660, %and3A_663 : vector<16xi32>
    %swap3A_665 = arith.constant 1 : i32
    %swap3A_666 = arith.index_cast %swap3A_665 : i32 to index
    %swap3A_667 = arith.constant 112 : index
    %swap3A_668 = tpu.vector_load %arg9[%swap3A_666, %swap3A_667] {strides = array<i32>} : memref<4x128xi32, #tpu.memory_space<vmem>>, vector<1x16xi32>,
    %swap3A_669 = vector.shape_cast %swap3A_668 : vector<1x16xi32> to vector<16xi32>
    %swap3A_670 = vector.shape_cast %or3A_664 : vector<16xi32> to vector<1x16xi32>
    tpu.vector_store %arg9[%swap3A_666, %swap3A_667], %swap3A_670 {strides = array<i32>} : memref<4x128xi32, #tpu.memory_space<vmem>>, vector<1x16xi32>,
    %get3A_671 = arith.constant 2 : i32
    %get3A_672 = arith.index_cast %get3A_671 : i32 to index
    %get3A_673 = arith.constant 0 : index
    %get3A_674 = tpu.vector_load %arg8[%get3A_672, %get3A_673] {strides = array<i32>} : memref<4x128xi32, #tpu.memory_space<vmem>>, vector<1x16xi32>,
    %get3A_675 = vector.shape_cast %get3A_674 : vector<1x16xi32> to vector<16xi32>
    %shift_right_arithmetic3A_676 = arith.constant 14 : i32
    %shift_right_arithmetic3A_677 = vector.broadcast %shift_right_arithmetic3A_676 : i32 to vector<16xi32>
    %shift_right_arithmetic3A_678 = arith.shrsi %get3A_675, %shift_right_arithmetic3A_677 : vector<16xi32>
    %shift_left3A_679 = arith.constant 12 : i32
    %shift_left3A_680 = vector.broadcast %shift_left3A_679 : i32 to vector<16xi32>
    %shift_left3A_681 = arith.shli %shift_right_arithmetic3A_678, %shift_left3A_680 : vector<16xi32>
    %and3A_682 = arith.constant 4095 : i32
    %and3A_683 = vector.broadcast %and3A_682 : i32 to vector<16xi32>
    %and3A_684 = arith.andi %get3A_675, %and3A_683 : vector<16xi32>
    %or3A_685 = arith.ori %shift_left3A_681, %and3A_684 : vector<16xi32>
    %swap3A_686 = arith.constant 2 : i32
    %swap3A_687 = arith.index_cast %swap3A_686 : i32 to index
    %swap3A_688 = arith.constant 0 : index
    %swap3A_689 = tpu.vector_load %arg8[%swap3A_687, %swap3A_688] {strides = array<i32>} : memref<4x128xi32, #tpu.memory_space<vmem>>, vector<1x16xi32>,
    %swap3A_690 = vector.shape_cast %swap3A_689 : vector<1x16xi32> to vector<16xi32>
    %swap3A_691 = vector.shape_cast %or3A_685 : vector<16xi32> to vector<1x16xi32>
    tpu.vector_store %arg8[%swap3A_687, %swap3A_688], %swap3A_691 {strides = array<i32>} : memref<4x128xi32, #tpu.memory_space<vmem>>, vector<1x16xi32>,
    %get3A_692 = arith.constant 2 : i32
    %get3A_693 = arith.index_cast %get3A_692 : i32 to index
    %get3A_694 = arith.constant 0 : index
    %get3A_695 = tpu.vector_load %arg9[%get3A_693, %get3A_694] {strides = array<i32>} : memref<4x128xi32, #tpu.memory_space<vmem>>, vector<1x16xi32>,
    %get3A_696 = vector.shape_cast %get3A_695 : vector<1x16xi32> to vector<16xi32>
    %shift_right_arithmetic3A_697 = arith.constant 14 : i32
    %shift_right_arithmetic3A_698 = vector.broadcast %shift_right_arithmetic3A_697 : i32 to vector<16xi32>
    %shift_right_arithmetic3A_699 = arith.shrsi %get3A_696, %shift_right_arithmetic3A_698 : vector<16xi32>
    %shift_left3A_700 = arith.constant 10 : i32
    %shift_left3A_701 = vector.broadcast %shift_left3A_700 : i32 to vector<16xi32>
    %shift_left3A_702 = arith.shli %shift_right_arithmetic3A_699, %shift_left3A_701 : vector<16xi32>
    %and3A_703 = arith.constant 1023 : i32
    %and3A_704 = vector.broadcast %and3A_703 : i32 to vector<16xi32>
    %and3A_705 = arith.andi %get3A_696, %and3A_704 : vector<16xi32>
    %or3A_706 = arith.ori %shift_left3A_702, %and3A_705 : vector<16xi32>
    %swap3A_707 = arith.constant 2 : i32
    %swap3A_708 = arith.index_cast %swap3A_707 : i32 to index
    %swap3A_709 = arith.constant 0 : index
    %swap3A_710 = tpu.vector_load %arg9[%swap3A_708, %swap3A_709] {strides = array<i32>} : memref<4x128xi32, #tpu.memory_space<vmem>>, vector<1x16xi32>,
    %swap3A_711 = vector.shape_cast %swap3A_710 : vector<1x16xi32> to vector<16xi32>
    %swap3A_712 = vector.shape_cast %or3A_706 : vector<16xi32> to vector<1x16xi32>
    tpu.vector_store %arg9[%swap3A_708, %swap3A_709], %swap3A_712 {strides = array<i32>} : memref<4x128xi32, #tpu.memory_space<vmem>>, vector<1x16xi32>,
    %get3A_713 = arith.constant 2 : i32
    %get3A_714 = arith.index_cast %get3A_713 : i32 to index
    %get3A_715 = arith.constant 16 : index
    %get3A_716 = tpu.vector_load %arg8[%get3A_714, %get3A_715] {strides = array<i32>} : memref<4x128xi32, #tpu.memory_space<vmem>>, vector<1x16xi32>,
    %get3A_717 = vector.shape_cast %get3A_716 : vector<1x16xi32> to vector<16xi32>
    %shift_right_arithmetic3A_718 = arith.constant 14 : i32
    %shift_right_arithmetic3A_719 = vector.broadcast %shift_right_arithmetic3A_718 : i32 to vector<16xi32>
    %shift_right_arithmetic3A_720 = arith.shrsi %get3A_717, %shift_right_arithmetic3A_719 : vector<16xi32>
    %shift_left3A_721 = arith.constant 12 : i32
    %shift_left3A_722 = vector.broadcast %shift_left3A_721 : i32 to vector<16xi32>
    %shift_left3A_723 = arith.shli %shift_right_arithmetic3A_720, %shift_left3A_722 : vector<16xi32>
    %and3A_724 = arith.constant 4095 : i32
    %and3A_725 = vector.broadcast %and3A_724 : i32 to vector<16xi32>
    %and3A_726 = arith.andi %get3A_717, %and3A_725 : vector<16xi32>
    %or3A_727 = arith.ori %shift_left3A_723, %and3A_726 : vector<16xi32>
    %swap3A_728 = arith.constant 2 : i32
    %swap3A_729 = arith.index_cast %swap3A_728 : i32 to index
    %swap3A_730 = arith.constant 16 : index
    %swap3A_731 = tpu.vector_load %arg8[%swap3A_729, %swap3A_730] {strides = array<i32>} : memref<4x128xi32, #tpu.memory_space<vmem>>, vector<1x16xi32>,
    %swap3A_732 = vector.shape_cast %swap3A_731 : vector<1x16xi32> to vector<16xi32>
    %swap3A_733 = vector.shape_cast %or3A_727 : vector<16xi32> to vector<1x16xi32>
    tpu.vector_store %arg8[%swap3A_729, %swap3A_730], %swap3A_733 {strides = array<i32>} : memref<4x128xi32, #tpu.memory_space<vmem>>, vector<1x16xi32>,
    %get3A_734 = arith.constant 2 : i32
    %get3A_735 = arith.index_cast %get3A_734 : i32 to index
    %get3A_736 = arith.constant 16 : index
    %get3A_737 = tpu.vector_load %arg9[%get3A_735, %get3A_736] {strides = array<i32>} : memref<4x128xi32, #tpu.memory_space<vmem>>, vector<1x16xi32>,
    %get3A_738 = vector.shape_cast %get3A_737 : vector<1x16xi32> to vector<16xi32>
    %shift_right_arithmetic3A_739 = arith.constant 14 : i32
    %shift_right_arithmetic3A_740 = vector.broadcast %shift_right_arithmetic3A_739 : i32 to vector<16xi32>
    %shift_right_arithmetic3A_741 = arith.shrsi %get3A_738, %shift_right_arithmetic3A_740 : vector<16xi32>
    %shift_left3A_742 = arith.constant 10 : i32
    %shift_left3A_743 = vector.broadcast %shift_left3A_742 : i32 to vector<16xi32>
    %shift_left3A_744 = arith.shli %shift_right_arithmetic3A_741, %shift_left3A_743 : vector<16xi32>
    %and3A_745 = arith.constant 1023 : i32
    %and3A_746 = vector.broadcast %and3A_745 : i32 to vector<16xi32>
    %and3A_747 = arith.andi %get3A_738, %and3A_746 : vector<16xi32>
    %or3A_748 = arith.ori %shift_left3A_744, %and3A_747 : vector<16xi32>
    %swap3A_749 = arith.constant 2 : i32
    %swap3A_750 = arith.index_cast %swap3A_749 : i32 to index
    %swap3A_751 = arith.constant 16 : index
    %swap3A_752 = tpu.vector_load %arg9[%swap3A_750, %swap3A_751] {strides = array<i32>} : memref<4x128xi32, #tpu.memory_space<vmem>>, vector<1x16xi32>,
    %swap3A_753 = vector.shape_cast %swap3A_752 : vector<1x16xi32> to vector<16xi32>
    %swap3A_754 = vector.shape_cast %or3A_748 : vector<16xi32> to vector<1x16xi32>
    tpu.vector_store %arg9[%swap3A_750, %swap3A_751], %swap3A_754 {strides = array<i32>} : memref<4x128xi32, #tpu.memory_space<vmem>>, vector<1x16xi32>,
    %get3A_755 = arith.constant 2 : i32
    %get3A_756 = arith.index_cast %get3A_755 : i32 to index
    %get3A_757 = arith.constant 32 : index
    %get3A_758 = tpu.vector_load %arg8[%get3A_756, %get3A_757] {strides = array<i32>} : memref<4x128xi32, #tpu.memory_space<vmem>>, vector<1x16xi32>,
    %get3A_759 = vector.shape_cast %get3A_758 : vector<1x16xi32> to vector<16xi32>
    %shift_right_arithmetic3A_760 = arith.constant 14 : i32
    %shift_right_arithmetic3A_761 = vector.broadcast %shift_right_arithmetic3A_760 : i32 to vector<16xi32>
    %shift_right_arithmetic3A_762 = arith.shrsi %get3A_759, %shift_right_arithmetic3A_761 : vector<16xi32>
    %shift_left3A_763 = arith.constant 12 : i32
    %shift_left3A_764 = vector.broadcast %shift_left3A_763 : i32 to vector<16xi32>
    %shift_left3A_765 = arith.shli %shift_right_arithmetic3A_762, %shift_left3A_764 : vector<16xi32>
    %and3A_766 = arith.constant 4095 : i32
    %and3A_767 = vector.broadcast %and3A_766 : i32 to vector<16xi32>
    %and3A_768 = arith.andi %get3A_759, %and3A_767 : vector<16xi32>
    %or3A_769 = arith.ori %shift_left3A_765, %and3A_768 : vector<16xi32>
    %swap3A_770 = arith.constant 2 : i32
    %swap3A_771 = arith.index_cast %swap3A_770 : i32 to index
    %swap3A_772 = arith.constant 32 : index
    %swap3A_773 = tpu.vector_load %arg8[%swap3A_771, %swap3A_772] {strides = array<i32>} : memref<4x128xi32, #tpu.memory_space<vmem>>, vector<1x16xi32>,
    %swap3A_774 = vector.shape_cast %swap3A_773 : vector<1x16xi32> to vector<16xi32>
    %swap3A_775 = vector.shape_cast %or3A_769 : vector<16xi32> to vector<1x16xi32>
    tpu.vector_store %arg8[%swap3A_771, %swap3A_772], %swap3A_775 {strides = array<i32>} : memref<4x128xi32, #tpu.memory_space<vmem>>, vector<1x16xi32>,
    %get3A_776 = arith.constant 2 : i32
    %get3A_777 = arith.index_cast %get3A_776 : i32 to index
    %get3A_778 = arith.constant 32 : index
    %get3A_779 = tpu.vector_load %arg9[%get3A_777, %get3A_778] {strides = array<i32>} : memref<4x128xi32, #tpu.memory_space<vmem>>, vector<1x16xi32>,
    %get3A_780 = vector.shape_cast %get3A_779 : vector<1x16xi32> to vector<16xi32>
    %shift_right_arithmetic3A_781 = arith.constant 14 : i32
    %shift_right_arithmetic3A_782 = vector.broadcast %shift_right_arithmetic3A_781 : i32 to vector<16xi32>
    %shift_right_arithmetic3A_783 = arith.shrsi %get3A_780, %shift_right_arithmetic3A_782 : vector<16xi32>
    %shift_left3A_784 = arith.constant 10 : i32
    %shift_left3A_785 = vector.broadcast %shift_left3A_784 : i32 to vector<16xi32>
    %shift_left3A_786 = arith.shli %shift_right_arithmetic3A_783, %shift_left3A_785 : vector<16xi32>
    %and3A_787 = arith.constant 1023 : i32
    %and3A_788 = vector.broadcast %and3A_787 : i32 to vector<16xi32>
    %and3A_789 = arith.andi %get3A_780, %and3A_788 : vector<16xi32>
    %or3A_790 = arith.ori %shift_left3A_786, %and3A_789 : vector<16xi32>
    %swap3A_791 = arith.constant 2 : i32
    %swap3A_792 = arith.index_cast %swap3A_791 : i32 to index
    %swap3A_793 = arith.constant 32 : index
    %swap3A_794 = tpu.vector_load %arg9[%swap3A_792, %swap3A_793] {strides = array<i32>} : memref<4x128xi32, #tpu.memory_space<vmem>>, vector<1x16xi32>,
    %swap3A_795 = vector.shape_cast %swap3A_794 : vector<1x16xi32> to vector<16xi32>
    %swap3A_796 = vector.shape_cast %or3A_790 : vector<16xi32> to vector<1x16xi32>
    tpu.vector_store %arg9[%swap3A_792, %swap3A_793], %swap3A_796 {strides = array<i32>} : memref<4x128xi32, #tpu.memory_space<vmem>>, vector<1x16xi32>,
    %get3A_797 = arith.constant 2 : i32
    %get3A_798 = arith.index_cast %get3A_797 : i32 to index
    %get3A_799 = arith.constant 48 : index
    %get3A_800 = tpu.vector_load %arg8[%get3A_798, %get3A_799] {strides = array<i32>} : memref<4x128xi32, #tpu.memory_space<vmem>>, vector<1x16xi32>,
    %get3A_801 = vector.shape_cast %get3A_800 : vector<1x16xi32> to vector<16xi32>
    %shift_right_arithmetic3A_802 = arith.constant 14 : i32
    %shift_right_arithmetic3A_803 = vector.broadcast %shift_right_arithmetic3A_802 : i32 to vector<16xi32>
    %shift_right_arithmetic3A_804 = arith.shrsi %get3A_801, %shift_right_arithmetic3A_803 : vector<16xi32>
    %shift_left3A_805 = arith.constant 12 : i32
    %shift_left3A_806 = vector.broadcast %shift_left3A_805 : i32 to vector<16xi32>
    %shift_left3A_807 = arith.shli %shift_right_arithmetic3A_804, %shift_left3A_806 : vector<16xi32>
    %and3A_808 = arith.constant 4095 : i32
    %and3A_809 = vector.broadcast %and3A_808 : i32 to vector<16xi32>
    %and3A_810 = arith.andi %get3A_801, %and3A_809 : vector<16xi32>
    %or3A_811 = arith.ori %shift_left3A_807, %and3A_810 : vector<16xi32>
    %swap3A_812 = arith.constant 2 : i32
    %swap3A_813 = arith.index_cast %swap3A_812 : i32 to index
    %swap3A_814 = arith.constant 48 : index
    %swap3A_815 = tpu.vector_load %arg8[%swap3A_813, %swap3A_814] {strides = array<i32>} : memref<4x128xi32, #tpu.memory_space<vmem>>, vector<1x16xi32>,
    %swap3A_816 = vector.shape_cast %swap3A_815 : vector<1x16xi32> to vector<16xi32>
    %swap3A_817 = vector.shape_cast %or3A_811 : vector<16xi32> to vector<1x16xi32>
    tpu.vector_store %arg8[%swap3A_813, %swap3A_814], %swap3A_817 {strides = array<i32>} : memref<4x128xi32, #tpu.memory_space<vmem>>, vector<1x16xi32>,
    %get3A_818 = arith.constant 2 : i32
    %get3A_819 = arith.index_cast %get3A_818 : i32 to index
    %get3A_820 = arith.constant 48 : index
    %get3A_821 = tpu.vector_load %arg9[%get3A_819, %get3A_820] {strides = array<i32>} : memref<4x128xi32, #tpu.memory_space<vmem>>, vector<1x16xi32>,
    %get3A_822 = vector.shape_cast %get3A_821 : vector<1x16xi32> to vector<16xi32>
    %shift_right_arithmetic3A_823 = arith.constant 14 : i32
    %shift_right_arithmetic3A_824 = vector.broadcast %shift_right_arithmetic3A_823 : i32 to vector<16xi32>
    %shift_right_arithmetic3A_825 = arith.shrsi %get3A_822, %shift_right_arithmetic3A_824 : vector<16xi32>
    %shift_left3A_826 = arith.constant 10 : i32
    %shift_left3A_827 = vector.broadcast %shift_left3A_826 : i32 to vector<16xi32>
    %shift_left3A_828 = arith.shli %shift_right_arithmetic3A_825, %shift_left3A_827 : vector<16xi32>
    %and3A_829 = arith.constant 1023 : i32
    %and3A_830 = vector.broadcast %and3A_829 : i32 to vector<16xi32>
    %and3A_831 = arith.andi %get3A_822, %and3A_830 : vector<16xi32>
    %or3A_832 = arith.ori %shift_left3A_828, %and3A_831 : vector<16xi32>
    %swap3A_833 = arith.constant 2 : i32
    %swap3A_834 = arith.index_cast %swap3A_833 : i32 to index
    %swap3A_835 = arith.constant 48 : index
    %swap3A_836 = tpu.vector_load %arg9[%swap3A_834, %swap3A_835] {strides = array<i32>} : memref<4x128xi32, #tpu.memory_space<vmem>>, vector<1x16xi32>,
    %swap3A_837 = vector.shape_cast %swap3A_836 : vector<1x16xi32> to vector<16xi32>
    %swap3A_838 = vector.shape_cast %or3A_832 : vector<16xi32> to vector<1x16xi32>
    tpu.vector_store %arg9[%swap3A_834, %swap3A_835], %swap3A_838 {strides = array<i32>} : memref<4x128xi32, #tpu.memory_space<vmem>>, vector<1x16xi32>,
    %get3A_839 = arith.constant 2 : i32
    %get3A_840 = arith.index_cast %get3A_839 : i32 to index
    %get3A_841 = arith.constant 64 : index
    %get3A_842 = tpu.vector_load %arg8[%get3A_840, %get3A_841] {strides = array<i32>} : memref<4x128xi32, #tpu.memory_space<vmem>>, vector<1x16xi32>,
    %get3A_843 = vector.shape_cast %get3A_842 : vector<1x16xi32> to vector<16xi32>
    %shift_right_arithmetic3A_844 = arith.constant 14 : i32
    %shift_right_arithmetic3A_845 = vector.broadcast %shift_right_arithmetic3A_844 : i32 to vector<16xi32>
    %shift_right_arithmetic3A_846 = arith.shrsi %get3A_843, %shift_right_arithmetic3A_845 : vector<16xi32>
    %shift_left3A_847 = arith.constant 12 : i32
    %shift_left3A_848 = vector.broadcast %shift_left3A_847 : i32 to vector<16xi32>
    %shift_left3A_849 = arith.shli %shift_right_arithmetic3A_846, %shift_left3A_848 : vector<16xi32>
    %and3A_850 = arith.constant 4095 : i32
    %and3A_851 = vector.broadcast %and3A_850 : i32 to vector<16xi32>
    %and3A_852 = arith.andi %get3A_843, %and3A_851 : vector<16xi32>
    %or3A_853 = arith.ori %shift_left3A_849, %and3A_852 : vector<16xi32>
    %swap3A_854 = arith.constant 2 : i32
    %swap3A_855 = arith.index_cast %swap3A_854 : i32 to index
    %swap3A_856 = arith.constant 64 : index
    %swap3A_857 = tpu.vector_load %arg8[%swap3A_855, %swap3A_856] {strides = array<i32>} : memref<4x128xi32, #tpu.memory_space<vmem>>, vector<1x16xi32>,
    %swap3A_858 = vector.shape_cast %swap3A_857 : vector<1x16xi32> to vector<16xi32>
    %swap3A_859 = vector.shape_cast %or3A_853 : vector<16xi32> to vector<1x16xi32>
    tpu.vector_store %arg8[%swap3A_855, %swap3A_856], %swap3A_859 {strides = array<i32>} : memref<4x128xi32, #tpu.memory_space<vmem>>, vector<1x16xi32>,
    %get3A_860 = arith.constant 2 : i32
    %get3A_861 = arith.index_cast %get3A_860 : i32 to index
    %get3A_862 = arith.constant 64 : index
    %get3A_863 = tpu.vector_load %arg9[%get3A_861, %get3A_862] {strides = array<i32>} : memref<4x128xi32, #tpu.memory_space<vmem>>, vector<1x16xi32>,
    %get3A_864 = vector.shape_cast %get3A_863 : vector<1x16xi32> to vector<16xi32>
    %shift_right_arithmetic3A_865 = arith.constant 14 : i32
    %shift_right_arithmetic3A_866 = vector.broadcast %shift_right_arithmetic3A_865 : i32 to vector<16xi32>
    %shift_right_arithmetic3A_867 = arith.shrsi %get3A_864, %shift_right_arithmetic3A_866 : vector<16xi32>
    %shift_left3A_868 = arith.constant 10 : i32
    %shift_left3A_869 = vector.broadcast %shift_left3A_868 : i32 to vector<16xi32>
    %shift_left3A_870 = arith.shli %shift_right_arithmetic3A_867, %shift_left3A_869 : vector<16xi32>
    %and3A_871 = arith.constant 1023 : i32
    %and3A_872 = vector.broadcast %and3A_871 : i32 to vector<16xi32>
    %and3A_873 = arith.andi %get3A_864, %and3A_872 : vector<16xi32>
    %or3A_874 = arith.ori %shift_left3A_870, %and3A_873 : vector<16xi32>
    %swap3A_875 = arith.constant 2 : i32
    %swap3A_876 = arith.index_cast %swap3A_875 : i32 to index
    %swap3A_877 = arith.constant 64 : index
    %swap3A_878 = tpu.vector_load %arg9[%swap3A_876, %swap3A_877] {strides = array<i32>} : memref<4x128xi32, #tpu.memory_space<vmem>>, vector<1x16xi32>,
    %swap3A_879 = vector.shape_cast %swap3A_878 : vector<1x16xi32> to vector<16xi32>
    %swap3A_880 = vector.shape_cast %or3A_874 : vector<16xi32> to vector<1x16xi32>
    tpu.vector_store %arg9[%swap3A_876, %swap3A_877], %swap3A_880 {strides = array<i32>} : memref<4x128xi32, #tpu.memory_space<vmem>>, vector<1x16xi32>,
    %get3A_881 = arith.constant 2 : i32
    %get3A_882 = arith.index_cast %get3A_881 : i32 to index
    %get3A_883 = arith.constant 80 : index
    %get3A_884 = tpu.vector_load %arg8[%get3A_882, %get3A_883] {strides = array<i32>} : memref<4x128xi32, #tpu.memory_space<vmem>>, vector<1x16xi32>,
    %get3A_885 = vector.shape_cast %get3A_884 : vector<1x16xi32> to vector<16xi32>
    %shift_right_arithmetic3A_886 = arith.constant 14 : i32
    %shift_right_arithmetic3A_887 = vector.broadcast %shift_right_arithmetic3A_886 : i32 to vector<16xi32>
    %shift_right_arithmetic3A_888 = arith.shrsi %get3A_885, %shift_right_arithmetic3A_887 : vector<16xi32>
    %shift_left3A_889 = arith.constant 12 : i32
    %shift_left3A_890 = vector.broadcast %shift_left3A_889 : i32 to vector<16xi32>
    %shift_left3A_891 = arith.shli %shift_right_arithmetic3A_888, %shift_left3A_890 : vector<16xi32>
    %and3A_892 = arith.constant 4095 : i32
    %and3A_893 = vector.broadcast %and3A_892 : i32 to vector<16xi32>
    %and3A_894 = arith.andi %get3A_885, %and3A_893 : vector<16xi32>
    %or3A_895 = arith.ori %shift_left3A_891, %and3A_894 : vector<16xi32>
    %swap3A_896 = arith.constant 2 : i32
    %swap3A_897 = arith.index_cast %swap3A_896 : i32 to index
    %swap3A_898 = arith.constant 80 : index
    %swap3A_899 = tpu.vector_load %arg8[%swap3A_897, %swap3A_898] {strides = array<i32>} : memref<4x128xi32, #tpu.memory_space<vmem>>, vector<1x16xi32>,
    %swap3A_900 = vector.shape_cast %swap3A_899 : vector<1x16xi32> to vector<16xi32>
    %swap3A_901 = vector.shape_cast %or3A_895 : vector<16xi32> to vector<1x16xi32>
    tpu.vector_store %arg8[%swap3A_897, %swap3A_898], %swap3A_901 {strides = array<i32>} : memref<4x128xi32, #tpu.memory_space<vmem>>, vector<1x16xi32>,
    %get3A_902 = arith.constant 2 : i32
    %get3A_903 = arith.index_cast %get3A_902 : i32 to index
    %get3A_904 = arith.constant 80 : index
    %get3A_905 = tpu.vector_load %arg9[%get3A_903, %get3A_904] {strides = array<i32>} : memref<4x128xi32, #tpu.memory_space<vmem>>, vector<1x16xi32>,
    %get3A_906 = vector.shape_cast %get3A_905 : vector<1x16xi32> to vector<16xi32>
    %shift_right_arithmetic3A_907 = arith.constant 14 : i32
    %shift_right_arithmetic3A_908 = vector.broadcast %shift_right_arithmetic3A_907 : i32 to vector<16xi32>
    %shift_right_arithmetic3A_909 = arith.shrsi %get3A_906, %shift_right_arithmetic3A_908 : vector<16xi32>
    %shift_left3A_910 = arith.constant 10 : i32
    %shift_left3A_911 = vector.broadcast %shift_left3A_910 : i32 to vector<16xi32>
    %shift_left3A_912 = arith.shli %shift_right_arithmetic3A_909, %shift_left3A_911 : vector<16xi32>
    %and3A_913 = arith.constant 1023 : i32
    %and3A_914 = vector.broadcast %and3A_913 : i32 to vector<16xi32>
    %and3A_915 = arith.andi %get3A_906, %and3A_914 : vector<16xi32>
    %or3A_916 = arith.ori %shift_left3A_912, %and3A_915 : vector<16xi32>
    %swap3A_917 = arith.constant 2 : i32
    %swap3A_918 = arith.index_cast %swap3A_917 : i32 to index
    %swap3A_919 = arith.constant 80 : index
    %swap3A_920 = tpu.vector_load %arg9[%swap3A_918, %swap3A_919] {strides = array<i32>} : memref<4x128xi32, #tpu.memory_space<vmem>>, vector<1x16xi32>,
    %swap3A_921 = vector.shape_cast %swap3A_920 : vector<1x16xi32> to vector<16xi32>
    %swap3A_922 = vector.shape_cast %or3A_916 : vector<16xi32> to vector<1x16xi32>
    tpu.vector_store %arg9[%swap3A_918, %swap3A_919], %swap3A_922 {strides = array<i32>} : memref<4x128xi32, #tpu.memory_space<vmem>>, vector<1x16xi32>,
    %get3A_923 = arith.constant 2 : i32
    %get3A_924 = arith.index_cast %get3A_923 : i32 to index
    %get3A_925 = arith.constant 96 : index
    %get3A_926 = tpu.vector_load %arg8[%get3A_924, %get3A_925] {strides = array<i32>} : memref<4x128xi32, #tpu.memory_space<vmem>>, vector<1x16xi32>,
    %get3A_927 = vector.shape_cast %get3A_926 : vector<1x16xi32> to vector<16xi32>
    %shift_right_arithmetic3A_928 = arith.constant 14 : i32
    %shift_right_arithmetic3A_929 = vector.broadcast %shift_right_arithmetic3A_928 : i32 to vector<16xi32>
    %shift_right_arithmetic3A_930 = arith.shrsi %get3A_927, %shift_right_arithmetic3A_929 : vector<16xi32>
    %shift_left3A_931 = arith.constant 12 : i32
    %shift_left3A_932 = vector.broadcast %shift_left3A_931 : i32 to vector<16xi32>
    %shift_left3A_933 = arith.shli %shift_right_arithmetic3A_930, %shift_left3A_932 : vector<16xi32>
    %and3A_934 = arith.constant 4095 : i32
    %and3A_935 = vector.broadcast %and3A_934 : i32 to vector<16xi32>
    %and3A_936 = arith.andi %get3A_927, %and3A_935 : vector<16xi32>
    %or3A_937 = arith.ori %shift_left3A_933, %and3A_936 : vector<16xi32>
    %swap3A_938 = arith.constant 2 : i32
    %swap3A_939 = arith.index_cast %swap3A_938 : i32 to index
    %swap3A_940 = arith.constant 96 : index
    %swap3A_941 = tpu.vector_load %arg8[%swap3A_939, %swap3A_940] {strides = array<i32>} : memref<4x128xi32, #tpu.memory_space<vmem>>, vector<1x16xi32>,
    %swap3A_942 = vector.shape_cast %swap3A_941 : vector<1x16xi32> to vector<16xi32>
    %swap3A_943 = vector.shape_cast %or3A_937 : vector<16xi32> to vector<1x16xi32>
    tpu.vector_store %arg8[%swap3A_939, %swap3A_940], %swap3A_943 {strides = array<i32>} : memref<4x128xi32, #tpu.memory_space<vmem>>, vector<1x16xi32>,
    %get3A_944 = arith.constant 2 : i32
    %get3A_945 = arith.index_cast %get3A_944 : i32 to index
    %get3A_946 = arith.constant 96 : index
    %get3A_947 = tpu.vector_load %arg9[%get3A_945, %get3A_946] {strides = array<i32>} : memref<4x128xi32, #tpu.memory_space<vmem>>, vector<1x16xi32>,
    %get3A_948 = vector.shape_cast %get3A_947 : vector<1x16xi32> to vector<16xi32>
    %shift_right_arithmetic3A_949 = arith.constant 14 : i32
    %shift_right_arithmetic3A_950 = vector.broadcast %shift_right_arithmetic3A_949 : i32 to vector<16xi32>
    %shift_right_arithmetic3A_951 = arith.shrsi %get3A_948, %shift_right_arithmetic3A_950 : vector<16xi32>
    %shift_left3A_952 = arith.constant 10 : i32
    %shift_left3A_953 = vector.broadcast %shift_left3A_952 : i32 to vector<16xi32>
    %shift_left3A_954 = arith.shli %shift_right_arithmetic3A_951, %shift_left3A_953 : vector<16xi32>
    %and3A_955 = arith.constant 1023 : i32
    %and3A_956 = vector.broadcast %and3A_955 : i32 to vector<16xi32>
    %and3A_957 = arith.andi %get3A_948, %and3A_956 : vector<16xi32>
    %or3A_958 = arith.ori %shift_left3A_954, %and3A_957 : vector<16xi32>
    %swap3A_959 = arith.constant 2 : i32
    %swap3A_960 = arith.index_cast %swap3A_959 : i32 to index
    %swap3A_961 = arith.constant 96 : index
    %swap3A_962 = tpu.vector_load %arg9[%swap3A_960, %swap3A_961] {strides = array<i32>} : memref<4x128xi32, #tpu.memory_space<vmem>>, vector<1x16xi32>,
    %swap3A_963 = vector.shape_cast %swap3A_962 : vector<1x16xi32> to vector<16xi32>
    %swap3A_964 = vector.shape_cast %or3A_958 : vector<16xi32> to vector<1x16xi32>
    tpu.vector_store %arg9[%swap3A_960, %swap3A_961], %swap3A_964 {strides = array<i32>} : memref<4x128xi32, #tpu.memory_space<vmem>>, vector<1x16xi32>,
    %get3A_965 = arith.constant 2 : i32
    %get3A_966 = arith.index_cast %get3A_965 : i32 to index
    %get3A_967 = arith.constant 112 : index
    %get3A_968 = tpu.vector_load %arg8[%get3A_966, %get3A_967] {strides = array<i32>} : memref<4x128xi32, #tpu.memory_space<vmem>>, vector<1x16xi32>,
    %get3A_969 = vector.shape_cast %get3A_968 : vector<1x16xi32> to vector<16xi32>
    %shift_right_arithmetic3A_970 = arith.constant 14 : i32
    %shift_right_arithmetic3A_971 = vector.broadcast %shift_right_arithmetic3A_970 : i32 to vector<16xi32>
    %shift_right_arithmetic3A_972 = arith.shrsi %get3A_969, %shift_right_arithmetic3A_971 : vector<16xi32>
    %shift_left3A_973 = arith.constant 12 : i32
    %shift_left3A_974 = vector.broadcast %shift_left3A_973 : i32 to vector<16xi32>
    %shift_left3A_975 = arith.shli %shift_right_arithmetic3A_972, %shift_left3A_974 : vector<16xi32>
    %and3A_976 = arith.constant 4095 : i32
    %and3A_977 = vector.broadcast %and3A_976 : i32 to vector<16xi32>
    %and3A_978 = arith.andi %get3A_969, %and3A_977 : vector<16xi32>
    %or3A_979 = arith.ori %shift_left3A_975, %and3A_978 : vector<16xi32>
    %swap3A_980 = arith.constant 2 : i32
    %swap3A_981 = arith.index_cast %swap3A_980 : i32 to index
    %swap3A_982 = arith.constant 112 : index
    %swap3A_983 = tpu.vector_load %arg8[%swap3A_981, %swap3A_982] {strides = array<i32>} : memref<4x128xi32, #tpu.memory_space<vmem>>, vector<1x16xi32>,
    %swap3A_984 = vector.shape_cast %swap3A_983 : vector<1x16xi32> to vector<16xi32>
    %swap3A_985 = vector.shape_cast %or3A_979 : vector<16xi32> to vector<1x16xi32>
    tpu.vector_store %arg8[%swap3A_981, %swap3A_982], %swap3A_985 {strides = array<i32>} : memref<4x128xi32, #tpu.memory_space<vmem>>, vector<1x16xi32>,
    %get3A_986 = arith.constant 2 : i32
    %get3A_987 = arith.index_cast %get3A_986 : i32 to index
    %get3A_988 = arith.constant 112 : index
    %get3A_989 = tpu.vector_load %arg9[%get3A_987, %get3A_988] {strides = array<i32>} : memref<4x128xi32, #tpu.memory_space<vmem>>, vector<1x16xi32>,
    %get3A_990 = vector.shape_cast %get3A_989 : vector<1x16xi32> to vector<16xi32>
    %shift_right_arithmetic3A_991 = arith.constant 14 : i32
    %shift_right_arithmetic3A_992 = vector.broadcast %shift_right_arithmetic3A_991 : i32 to vector<16xi32>
    %shift_right_arithmetic3A_993 = arith.shrsi %get3A_990, %shift_right_arithmetic3A_992 : vector<16xi32>
    %shift_left3A_994 = arith.constant 10 : i32
    %shift_left3A_995 = vector.broadcast %shift_left3A_994 : i32 to vector<16xi32>
    %shift_left3A_996 = arith.shli %shift_right_arithmetic3A_993, %shift_left3A_995 : vector<16xi32>
    %and3A_997 = arith.constant 1023 : i32
    %and3A_998 = vector.broadcast %and3A_997 : i32 to vector<16xi32>
    %and3A_999 = arith.andi %get3A_990, %and3A_998 : vector<16xi32>
    %or3A_1000 = arith.ori %shift_left3A_996, %and3A_999 : vector<16xi32>
    %swap3A_1001 = arith.constant 2 : i32
    %swap3A_1002 = arith.index_cast %swap3A_1001 : i32 to index
    %swap3A_1003 = arith.constant 112 : index
    %swap3A_1004 = tpu.vector_load %arg9[%swap3A_1002, %swap3A_1003] {strides = array<i32>} : memref<4x128xi32, #tpu.memory_space<vmem>>, vector<1x16xi32>,
    %swap3A_1005 = vector.shape_cast %swap3A_1004 : vector<1x16xi32> to vector<16xi32>
    %swap3A_1006 = vector.shape_cast %or3A_1000 : vector<16xi32> to vector<1x16xi32>
    tpu.vector_store %arg9[%swap3A_1002, %swap3A_1003], %swap3A_1006 {strides = array<i32>} : memref<4x128xi32, #tpu.memory_space<vmem>>, vector<1x16xi32>,
    %get3A_1007 = arith.constant 3 : i32
    %get3A_1008 = arith.index_cast %get3A_1007 : i32 to index
    %get3A_1009 = arith.constant 0 : index
    %get3A_1010 = tpu.vector_load %arg8[%get3A_1008, %get3A_1009] {strides = array<i32>} : memref<4x128xi32, #tpu.memory_space<vmem>>, vector<1x16xi32>,
    %get3A_1011 = vector.shape_cast %get3A_1010 : vector<1x16xi32> to vector<16xi32>
    %shift_right_arithmetic3A_1012 = arith.constant 14 : i32
    %shift_right_arithmetic3A_1013 = vector.broadcast %shift_right_arithmetic3A_1012 : i32 to vector<16xi32>
    %shift_right_arithmetic3A_1014 = arith.shrsi %get3A_1011, %shift_right_arithmetic3A_1013 : vector<16xi32>
    %shift_left3A_1015 = arith.constant 12 : i32
    %shift_left3A_1016 = vector.broadcast %shift_left3A_1015 : i32 to vector<16xi32>
    %shift_left3A_1017 = arith.shli %shift_right_arithmetic3A_1014, %shift_left3A_1016 : vector<16xi32>
    %and3A_1018 = arith.constant 4095 : i32
    %and3A_1019 = vector.broadcast %and3A_1018 : i32 to vector<16xi32>
    %and3A_1020 = arith.andi %get3A_1011, %and3A_1019 : vector<16xi32>
    %or3A_1021 = arith.ori %shift_left3A_1017, %and3A_1020 : vector<16xi32>
    %swap3A_1022 = arith.constant 3 : i32
    %swap3A_1023 = arith.index_cast %swap3A_1022 : i32 to index
    %swap3A_1024 = arith.constant 0 : index
    %swap3A_1025 = tpu.vector_load %arg8[%swap3A_1023, %swap3A_1024] {strides = array<i32>} : memref<4x128xi32, #tpu.memory_space<vmem>>, vector<1x16xi32>,
    %swap3A_1026 = vector.shape_cast %swap3A_1025 : vector<1x16xi32> to vector<16xi32>
    %swap3A_1027 = vector.shape_cast %or3A_1021 : vector<16xi32> to vector<1x16xi32>
    tpu.vector_store %arg8[%swap3A_1023, %swap3A_1024], %swap3A_1027 {strides = array<i32>} : memref<4x128xi32, #tpu.memory_space<vmem>>, vector<1x16xi32>,
    %get3A_1028 = arith.constant 3 : i32
    %get3A_1029 = arith.index_cast %get3A_1028 : i32 to index
    %get3A_1030 = arith.constant 0 : index
    %get3A_1031 = tpu.vector_load %arg9[%get3A_1029, %get3A_1030] {strides = array<i32>} : memref<4x128xi32, #tpu.memory_space<vmem>>, vector<1x16xi32>,
    %get3A_1032 = vector.shape_cast %get3A_1031 : vector<1x16xi32> to vector<16xi32>
    %shift_right_arithmetic3A_1033 = arith.constant 14 : i32
    %shift_right_arithmetic3A_1034 = vector.broadcast %shift_right_arithmetic3A_1033 : i32 to vector<16xi32>
    %shift_right_arithmetic3A_1035 = arith.shrsi %get3A_1032, %shift_right_arithmetic3A_1034 : vector<16xi32>
    %shift_left3A_1036 = arith.constant 10 : i32
    %shift_left3A_1037 = vector.broadcast %shift_left3A_1036 : i32 to vector<16xi32>
    %shift_left3A_1038 = arith.shli %shift_right_arithmetic3A_1035, %shift_left3A_1037 : vector<16xi32>
    %and3A_1039 = arith.constant 1023 : i32
    %and3A_1040 = vector.broadcast %and3A_1039 : i32 to vector<16xi32>
    %and3A_1041 = arith.andi %get3A_1032, %and3A_1040 : vector<16xi32>
    %or3A_1042 = arith.ori %shift_left3A_1038, %and3A_1041 : vector<16xi32>
    %swap3A_1043 = arith.constant 3 : i32
    %swap3A_1044 = arith.index_cast %swap3A_1043 : i32 to index
    %swap3A_1045 = arith.constant 0 : index
    %swap3A_1046 = tpu.vector_load %arg9[%swap3A_1044, %swap3A_1045] {strides = array<i32>} : memref<4x128xi32, #tpu.memory_space<vmem>>, vector<1x16xi32>,
    %swap3A_1047 = vector.shape_cast %swap3A_1046 : vector<1x16xi32> to vector<16xi32>
    %swap3A_1048 = vector.shape_cast %or3A_1042 : vector<16xi32> to vector<1x16xi32>
    tpu.vector_store %arg9[%swap3A_1044, %swap3A_1045], %swap3A_1048 {strides = array<i32>} : memref<4x128xi32, #tpu.memory_space<vmem>>, vector<1x16xi32>,
    %get3A_1049 = arith.constant 3 : i32
    %get3A_1050 = arith.index_cast %get3A_1049 : i32 to index
    %get3A_1051 = arith.constant 16 : index
    %get3A_1052 = tpu.vector_load %arg8[%get3A_1050, %get3A_1051] {strides = array<i32>} : memref<4x128xi32, #tpu.memory_space<vmem>>, vector<1x16xi32>,
    %get3A_1053 = vector.shape_cast %get3A_1052 : vector<1x16xi32> to vector<16xi32>
    %shift_right_arithmetic3A_1054 = arith.constant 14 : i32
    %shift_right_arithmetic3A_1055 = vector.broadcast %shift_right_arithmetic3A_1054 : i32 to vector<16xi32>
    %shift_right_arithmetic3A_1056 = arith.shrsi %get3A_1053, %shift_right_arithmetic3A_1055 : vector<16xi32>
    %shift_left3A_1057 = arith.constant 12 : i32
    %shift_left3A_1058 = vector.broadcast %shift_left3A_1057 : i32 to vector<16xi32>
    %shift_left3A_1059 = arith.shli %shift_right_arithmetic3A_1056, %shift_left3A_1058 : vector<16xi32>
    %and3A_1060 = arith.constant 4095 : i32
    %and3A_1061 = vector.broadcast %and3A_1060 : i32 to vector<16xi32>
    %and3A_1062 = arith.andi %get3A_1053, %and3A_1061 : vector<16xi32>
    %or3A_1063 = arith.ori %shift_left3A_1059, %and3A_1062 : vector<16xi32>
    %swap3A_1064 = arith.constant 3 : i32
    %swap3A_1065 = arith.index_cast %swap3A_1064 : i32 to index
    %swap3A_1066 = arith.constant 16 : index
    %swap3A_1067 = tpu.vector_load %arg8[%swap3A_1065, %swap3A_1066] {strides = array<i32>} : memref<4x128xi32, #tpu.memory_space<vmem>>, vector<1x16xi32>,
    %swap3A_1068 = vector.shape_cast %swap3A_1067 : vector<1x16xi32> to vector<16xi32>
    %swap3A_1069 = vector.shape_cast %or3A_1063 : vector<16xi32> to vector<1x16xi32>
    tpu.vector_store %arg8[%swap3A_1065, %swap3A_1066], %swap3A_1069 {strides = array<i32>} : memref<4x128xi32, #tpu.memory_space<vmem>>, vector<1x16xi32>,
    %get3A_1070 = arith.constant 3 : i32
    %get3A_1071 = arith.index_cast %get3A_1070 : i32 to index
    %get3A_1072 = arith.constant 16 : index
    %get3A_1073 = tpu.vector_load %arg9[%get3A_1071, %get3A_1072] {strides = array<i32>} : memref<4x128xi32, #tpu.memory_space<vmem>>, vector<1x16xi32>,
    %get3A_1074 = vector.shape_cast %get3A_1073 : vector<1x16xi32> to vector<16xi32>
    %shift_right_arithmetic3A_1075 = arith.constant 14 : i32
    %shift_right_arithmetic3A_1076 = vector.broadcast %shift_right_arithmetic3A_1075 : i32 to vector<16xi32>
    %shift_right_arithmetic3A_1077 = arith.shrsi %get3A_1074, %shift_right_arithmetic3A_1076 : vector<16xi32>
    %shift_left3A_1078 = arith.constant 10 : i32
    %shift_left3A_1079 = vector.broadcast %shift_left3A_1078 : i32 to vector<16xi32>
    %shift_left3A_1080 = arith.shli %shift_right_arithmetic3A_1077, %shift_left3A_1079 : vector<16xi32>
    %and3A_1081 = arith.constant 1023 : i32
    %and3A_1082 = vector.broadcast %and3A_1081 : i32 to vector<16xi32>
    %and3A_1083 = arith.andi %get3A_1074, %and3A_1082 : vector<16xi32>
    %or3A_1084 = arith.ori %shift_left3A_1080, %and3A_1083 : vector<16xi32>
    %swap3A_1085 = arith.constant 3 : i32
    %swap3A_1086 = arith.index_cast %swap3A_1085 : i32 to index
    %swap3A_1087 = arith.constant 16 : index
    %swap3A_1088 = tpu.vector_load %arg9[%swap3A_1086, %swap3A_1087] {strides = array<i32>} : memref<4x128xi32, #tpu.memory_space<vmem>>, vector<1x16xi32>,
    %swap3A_1089 = vector.shape_cast %swap3A_1088 : vector<1x16xi32> to vector<16xi32>
    %swap3A_1090 = vector.shape_cast %or3A_1084 : vector<16xi32> to vector<1x16xi32>
    tpu.vector_store %arg9[%swap3A_1086, %swap3A_1087], %swap3A_1090 {strides = array<i32>} : memref<4x128xi32, #tpu.memory_space<vmem>>, vector<1x16xi32>,
    %get3A_1091 = arith.constant 3 : i32
    %get3A_1092 = arith.index_cast %get3A_1091 : i32 to index
    %get3A_1093 = arith.constant 32 : index
    %get3A_1094 = tpu.vector_load %arg8[%get3A_1092, %get3A_1093] {strides = array<i32>} : memref<4x128xi32, #tpu.memory_space<vmem>>, vector<1x16xi32>,
    %get3A_1095 = vector.shape_cast %get3A_1094 : vector<1x16xi32> to vector<16xi32>
    %shift_right_arithmetic3A_1096 = arith.constant 14 : i32
    %shift_right_arithmetic3A_1097 = vector.broadcast %shift_right_arithmetic3A_1096 : i32 to vector<16xi32>
    %shift_right_arithmetic3A_1098 = arith.shrsi %get3A_1095, %shift_right_arithmetic3A_1097 : vector<16xi32>
    %shift_left3A_1099 = arith.constant 12 : i32
    %shift_left3A_1100 = vector.broadcast %shift_left3A_1099 : i32 to vector<16xi32>
    %shift_left3A_1101 = arith.shli %shift_right_arithmetic3A_1098, %shift_left3A_1100 : vector<16xi32>
    %and3A_1102 = arith.constant 4095 : i32
    %and3A_1103 = vector.broadcast %and3A_1102 : i32 to vector<16xi32>
    %and3A_1104 = arith.andi %get3A_1095, %and3A_1103 : vector<16xi32>
    %or3A_1105 = arith.ori %shift_left3A_1101, %and3A_1104 : vector<16xi32>
    %swap3A_1106 = arith.constant 3 : i32
    %swap3A_1107 = arith.index_cast %swap3A_1106 : i32 to index
    %swap3A_1108 = arith.constant 32 : index
    %swap3A_1109 = tpu.vector_load %arg8[%swap3A_1107, %swap3A_1108] {strides = array<i32>} : memref<4x128xi32, #tpu.memory_space<vmem>>, vector<1x16xi32>,
    %swap3A_1110 = vector.shape_cast %swap3A_1109 : vector<1x16xi32> to vector<16xi32>
    %swap3A_1111 = vector.shape_cast %or3A_1105 : vector<16xi32> to vector<1x16xi32>
    tpu.vector_store %arg8[%swap3A_1107, %swap3A_1108], %swap3A_1111 {strides = array<i32>} : memref<4x128xi32, #tpu.memory_space<vmem>>, vector<1x16xi32>,
    %get3A_1112 = arith.constant 3 : i32
    %get3A_1113 = arith.index_cast %get3A_1112 : i32 to index
    %get3A_1114 = arith.constant 32 : index
    %get3A_1115 = tpu.vector_load %arg9[%get3A_1113, %get3A_1114] {strides = array<i32>} : memref<4x128xi32, #tpu.memory_space<vmem>>, vector<1x16xi32>,
    %get3A_1116 = vector.shape_cast %get3A_1115 : vector<1x16xi32> to vector<16xi32>
    %shift_right_arithmetic3A_1117 = arith.constant 14 : i32
    %shift_right_arithmetic3A_1118 = vector.broadcast %shift_right_arithmetic3A_1117 : i32 to vector<16xi32>
    %shift_right_arithmetic3A_1119 = arith.shrsi %get3A_1116, %shift_right_arithmetic3A_1118 : vector<16xi32>
    %shift_left3A_1120 = arith.constant 10 : i32
    %shift_left3A_1121 = vector.broadcast %shift_left3A_1120 : i32 to vector<16xi32>
    %shift_left3A_1122 = arith.shli %shift_right_arithmetic3A_1119, %shift_left3A_1121 : vector<16xi32>
    %and3A_1123 = arith.constant 1023 : i32
    %and3A_1124 = vector.broadcast %and3A_1123 : i32 to vector<16xi32>
    %and3A_1125 = arith.andi %get3A_1116, %and3A_1124 : vector<16xi32>
    %or3A_1126 = arith.ori %shift_left3A_1122, %and3A_1125 : vector<16xi32>
    %swap3A_1127 = arith.constant 3 : i32
    %swap3A_1128 = arith.index_cast %swap3A_1127 : i32 to index
    %swap3A_1129 = arith.constant 32 : index
    %swap3A_1130 = tpu.vector_load %arg9[%swap3A_1128, %swap3A_1129] {strides = array<i32>} : memref<4x128xi32, #tpu.memory_space<vmem>>, vector<1x16xi32>,
    %swap3A_1131 = vector.shape_cast %swap3A_1130 : vector<1x16xi32> to vector<16xi32>
    %swap3A_1132 = vector.shape_cast %or3A_1126 : vector<16xi32> to vector<1x16xi32>
    tpu.vector_store %arg9[%swap3A_1128, %swap3A_1129], %swap3A_1132 {strides = array<i32>} : memref<4x128xi32, #tpu.memory_space<vmem>>, vector<1x16xi32>,
    %get3A_1133 = arith.constant 3 : i32
    %get3A_1134 = arith.index_cast %get3A_1133 : i32 to index
    %get3A_1135 = arith.constant 48 : index
    %get3A_1136 = tpu.vector_load %arg8[%get3A_1134, %get3A_1135] {strides = array<i32>} : memref<4x128xi32, #tpu.memory_space<vmem>>, vector<1x16xi32>,
    %get3A_1137 = vector.shape_cast %get3A_1136 : vector<1x16xi32> to vector<16xi32>
    %shift_right_arithmetic3A_1138 = arith.constant 14 : i32
    %shift_right_arithmetic3A_1139 = vector.broadcast %shift_right_arithmetic3A_1138 : i32 to vector<16xi32>
    %shift_right_arithmetic3A_1140 = arith.shrsi %get3A_1137, %shift_right_arithmetic3A_1139 : vector<16xi32>
    %shift_left3A_1141 = arith.constant 12 : i32
    %shift_left3A_1142 = vector.broadcast %shift_left3A_1141 : i32 to vector<16xi32>
    %shift_left3A_1143 = arith.shli %shift_right_arithmetic3A_1140, %shift_left3A_1142 : vector<16xi32>
    %and3A_1144 = arith.constant 4095 : i32
    %and3A_1145 = vector.broadcast %and3A_1144 : i32 to vector<16xi32>
    %and3A_1146 = arith.andi %get3A_1137, %and3A_1145 : vector<16xi32>
    %or3A_1147 = arith.ori %shift_left3A_1143, %and3A_1146 : vector<16xi32>
    %swap3A_1148 = arith.constant 3 : i32
    %swap3A_1149 = arith.index_cast %swap3A_1148 : i32 to index
    %swap3A_1150 = arith.constant 48 : index
    %swap3A_1151 = tpu.vector_load %arg8[%swap3A_1149, %swap3A_1150] {strides = array<i32>} : memref<4x128xi32, #tpu.memory_space<vmem>>, vector<1x16xi32>,
    %swap3A_1152 = vector.shape_cast %swap3A_1151 : vector<1x16xi32> to vector<16xi32>
    %swap3A_1153 = vector.shape_cast %or3A_1147 : vector<16xi32> to vector<1x16xi32>
    tpu.vector_store %arg8[%swap3A_1149, %swap3A_1150], %swap3A_1153 {strides = array<i32>} : memref<4x128xi32, #tpu.memory_space<vmem>>, vector<1x16xi32>,
    %get3A_1154 = arith.constant 3 : i32
    %get3A_1155 = arith.index_cast %get3A_1154 : i32 to index
    %get3A_1156 = arith.constant 48 : index
    %get3A_1157 = tpu.vector_load %arg9[%get3A_1155, %get3A_1156] {strides = array<i32>} : memref<4x128xi32, #tpu.memory_space<vmem>>, vector<1x16xi32>,
    %get3A_1158 = vector.shape_cast %get3A_1157 : vector<1x16xi32> to vector<16xi32>
    %shift_right_arithmetic3A_1159 = arith.constant 14 : i32
    %shift_right_arithmetic3A_1160 = vector.broadcast %shift_right_arithmetic3A_1159 : i32 to vector<16xi32>
    %shift_right_arithmetic3A_1161 = arith.shrsi %get3A_1158, %shift_right_arithmetic3A_1160 : vector<16xi32>
    %shift_left3A_1162 = arith.constant 10 : i32
    %shift_left3A_1163 = vector.broadcast %shift_left3A_1162 : i32 to vector<16xi32>
    %shift_left3A_1164 = arith.shli %shift_right_arithmetic3A_1161, %shift_left3A_1163 : vector<16xi32>
    %and3A_1165 = arith.constant 1023 : i32
    %and3A_1166 = vector.broadcast %and3A_1165 : i32 to vector<16xi32>
    %and3A_1167 = arith.andi %get3A_1158, %and3A_1166 : vector<16xi32>
    %or3A_1168 = arith.ori %shift_left3A_1164, %and3A_1167 : vector<16xi32>
    %swap3A_1169 = arith.constant 3 : i32
    %swap3A_1170 = arith.index_cast %swap3A_1169 : i32 to index
    %swap3A_1171 = arith.constant 48 : index
    %swap3A_1172 = tpu.vector_load %arg9[%swap3A_1170, %swap3A_1171] {strides = array<i32>} : memref<4x128xi32, #tpu.memory_space<vmem>>, vector<1x16xi32>,
    %swap3A_1173 = vector.shape_cast %swap3A_1172 : vector<1x16xi32> to vector<16xi32>
    %swap3A_1174 = vector.shape_cast %or3A_1168 : vector<16xi32> to vector<1x16xi32>
    tpu.vector_store %arg9[%swap3A_1170, %swap3A_1171], %swap3A_1174 {strides = array<i32>} : memref<4x128xi32, #tpu.memory_space<vmem>>, vector<1x16xi32>,
    %get3A_1175 = arith.constant 3 : i32
    %get3A_1176 = arith.index_cast %get3A_1175 : i32 to index
    %get3A_1177 = arith.constant 64 : index
    %get3A_1178 = tpu.vector_load %arg8[%get3A_1176, %get3A_1177] {strides = array<i32>} : memref<4x128xi32, #tpu.memory_space<vmem>>, vector<1x16xi32>,
    %get3A_1179 = vector.shape_cast %get3A_1178 : vector<1x16xi32> to vector<16xi32>
    %shift_right_arithmetic3A_1180 = arith.constant 14 : i32
    %shift_right_arithmetic3A_1181 = vector.broadcast %shift_right_arithmetic3A_1180 : i32 to vector<16xi32>
    %shift_right_arithmetic3A_1182 = arith.shrsi %get3A_1179, %shift_right_arithmetic3A_1181 : vector<16xi32>
    %shift_left3A_1183 = arith.constant 12 : i32
    %shift_left3A_1184 = vector.broadcast %shift_left3A_1183 : i32 to vector<16xi32>
    %shift_left3A_1185 = arith.shli %shift_right_arithmetic3A_1182, %shift_left3A_1184 : vector<16xi32>
    %and3A_1186 = arith.constant 4095 : i32
    %and3A_1187 = vector.broadcast %and3A_1186 : i32 to vector<16xi32>
    %and3A_1188 = arith.andi %get3A_1179, %and3A_1187 : vector<16xi32>
    %or3A_1189 = arith.ori %shift_left3A_1185, %and3A_1188 : vector<16xi32>
    %swap3A_1190 = arith.constant 3 : i32
    %swap3A_1191 = arith.index_cast %swap3A_1190 : i32 to index
    %swap3A_1192 = arith.constant 64 : index
    %swap3A_1193 = tpu.vector_load %arg8[%swap3A_1191, %swap3A_1192] {strides = array<i32>} : memref<4x128xi32, #tpu.memory_space<vmem>>, vector<1x16xi32>,
    %swap3A_1194 = vector.shape_cast %swap3A_1193 : vector<1x16xi32> to vector<16xi32>
    %swap3A_1195 = vector.shape_cast %or3A_1189 : vector<16xi32> to vector<1x16xi32>
    tpu.vector_store %arg8[%swap3A_1191, %swap3A_1192], %swap3A_1195 {strides = array<i32>} : memref<4x128xi32, #tpu.memory_space<vmem>>, vector<1x16xi32>,
    %get3A_1196 = arith.constant 3 : i32
    %get3A_1197 = arith.index_cast %get3A_1196 : i32 to index
    %get3A_1198 = arith.constant 64 : index
    %get3A_1199 = tpu.vector_load %arg9[%get3A_1197, %get3A_1198] {strides = array<i32>} : memref<4x128xi32, #tpu.memory_space<vmem>>, vector<1x16xi32>,
    %get3A_1200 = vector.shape_cast %get3A_1199 : vector<1x16xi32> to vector<16xi32>
    %shift_right_arithmetic3A_1201 = arith.constant 14 : i32
    %shift_right_arithmetic3A_1202 = vector.broadcast %shift_right_arithmetic3A_1201 : i32 to vector<16xi32>
    %shift_right_arithmetic3A_1203 = arith.shrsi %get3A_1200, %shift_right_arithmetic3A_1202 : vector<16xi32>
    %shift_left3A_1204 = arith.constant 10 : i32
    %shift_left3A_1205 = vector.broadcast %shift_left3A_1204 : i32 to vector<16xi32>
    %shift_left3A_1206 = arith.shli %shift_right_arithmetic3A_1203, %shift_left3A_1205 : vector<16xi32>
    %and3A_1207 = arith.constant 1023 : i32
    %and3A_1208 = vector.broadcast %and3A_1207 : i32 to vector<16xi32>
    %and3A_1209 = arith.andi %get3A_1200, %and3A_1208 : vector<16xi32>
    %or3A_1210 = arith.ori %shift_left3A_1206, %and3A_1209 : vector<16xi32>
    %swap3A_1211 = arith.constant 3 : i32
    %swap3A_1212 = arith.index_cast %swap3A_1211 : i32 to index
    %swap3A_1213 = arith.constant 64 : index
    %swap3A_1214 = tpu.vector_load %arg9[%swap3A_1212, %swap3A_1213] {strides = array<i32>} : memref<4x128xi32, #tpu.memory_space<vmem>>, vector<1x16xi32>,
    %swap3A_1215 = vector.shape_cast %swap3A_1214 : vector<1x16xi32> to vector<16xi32>
    %swap3A_1216 = vector.shape_cast %or3A_1210 : vector<16xi32> to vector<1x16xi32>
    tpu.vector_store %arg9[%swap3A_1212, %swap3A_1213], %swap3A_1216 {strides = array<i32>} : memref<4x128xi32, #tpu.memory_space<vmem>>, vector<1x16xi32>,
    %get3A_1217 = arith.constant 3 : i32
    %get3A_1218 = arith.index_cast %get3A_1217 : i32 to index
    %get3A_1219 = arith.constant 80 : index
    %get3A_1220 = tpu.vector_load %arg8[%get3A_1218, %get3A_1219] {strides = array<i32>} : memref<4x128xi32, #tpu.memory_space<vmem>>, vector<1x16xi32>,
    %get3A_1221 = vector.shape_cast %get3A_1220 : vector<1x16xi32> to vector<16xi32>
    %shift_right_arithmetic3A_1222 = arith.constant 14 : i32
    %shift_right_arithmetic3A_1223 = vector.broadcast %shift_right_arithmetic3A_1222 : i32 to vector<16xi32>
    %shift_right_arithmetic3A_1224 = arith.shrsi %get3A_1221, %shift_right_arithmetic3A_1223 : vector<16xi32>
    %shift_left3A_1225 = arith.constant 12 : i32
    %shift_left3A_1226 = vector.broadcast %shift_left3A_1225 : i32 to vector<16xi32>
    %shift_left3A_1227 = arith.shli %shift_right_arithmetic3A_1224, %shift_left3A_1226 : vector<16xi32>
    %and3A_1228 = arith.constant 4095 : i32
    %and3A_1229 = vector.broadcast %and3A_1228 : i32 to vector<16xi32>
    %and3A_1230 = arith.andi %get3A_1221, %and3A_1229 : vector<16xi32>
    %or3A_1231 = arith.ori %shift_left3A_1227, %and3A_1230 : vector<16xi32>
    %swap3A_1232 = arith.constant 3 : i32
    %swap3A_1233 = arith.index_cast %swap3A_1232 : i32 to index
    %swap3A_1234 = arith.constant 80 : index
    %swap3A_1235 = tpu.vector_load %arg8[%swap3A_1233, %swap3A_1234] {strides = array<i32>} : memref<4x128xi32, #tpu.memory_space<vmem>>, vector<1x16xi32>,
    %swap3A_1236 = vector.shape_cast %swap3A_1235 : vector<1x16xi32> to vector<16xi32>
    %swap3A_1237 = vector.shape_cast %or3A_1231 : vector<16xi32> to vector<1x16xi32>
    tpu.vector_store %arg8[%swap3A_1233, %swap3A_1234], %swap3A_1237 {strides = array<i32>} : memref<4x128xi32, #tpu.memory_space<vmem>>, vector<1x16xi32>,
    %get3A_1238 = arith.constant 3 : i32
    %get3A_1239 = arith.index_cast %get3A_1238 : i32 to index
    %get3A_1240 = arith.constant 80 : index
    %get3A_1241 = tpu.vector_load %arg9[%get3A_1239, %get3A_1240] {strides = array<i32>} : memref<4x128xi32, #tpu.memory_space<vmem>>, vector<1x16xi32>,
    %get3A_1242 = vector.shape_cast %get3A_1241 : vector<1x16xi32> to vector<16xi32>
    %shift_right_arithmetic3A_1243 = arith.constant 14 : i32
    %shift_right_arithmetic3A_1244 = vector.broadcast %shift_right_arithmetic3A_1243 : i32 to vector<16xi32>
    %shift_right_arithmetic3A_1245 = arith.shrsi %get3A_1242, %shift_right_arithmetic3A_1244 : vector<16xi32>
    %shift_left3A_1246 = arith.constant 10 : i32
    %shift_left3A_1247 = vector.broadcast %shift_left3A_1246 : i32 to vector<16xi32>
    %shift_left3A_1248 = arith.shli %shift_right_arithmetic3A_1245, %shift_left3A_1247 : vector<16xi32>
    %and3A_1249 = arith.constant 1023 : i32
    %and3A_1250 = vector.broadcast %and3A_1249 : i32 to vector<16xi32>
    %and3A_1251 = arith.andi %get3A_1242, %and3A_1250 : vector<16xi32>
    %or3A_1252 = arith.ori %shift_left3A_1248, %and3A_1251 : vector<16xi32>
    %swap3A_1253 = arith.constant 3 : i32
    %swap3A_1254 = arith.index_cast %swap3A_1253 : i32 to index
    %swap3A_1255 = arith.constant 80 : index
    %swap3A_1256 = tpu.vector_load %arg9[%swap3A_1254, %swap3A_1255] {strides = array<i32>} : memref<4x128xi32, #tpu.memory_space<vmem>>, vector<1x16xi32>,
    %swap3A_1257 = vector.shape_cast %swap3A_1256 : vector<1x16xi32> to vector<16xi32>
    %swap3A_1258 = vector.shape_cast %or3A_1252 : vector<16xi32> to vector<1x16xi32>
    tpu.vector_store %arg9[%swap3A_1254, %swap3A_1255], %swap3A_1258 {strides = array<i32>} : memref<4x128xi32, #tpu.memory_space<vmem>>, vector<1x16xi32>,
    %get3A_1259 = arith.constant 3 : i32
    %get3A_1260 = arith.index_cast %get3A_1259 : i32 to index
    %get3A_1261 = arith.constant 96 : index
    %get3A_1262 = tpu.vector_load %arg8[%get3A_1260, %get3A_1261] {strides = array<i32>} : memref<4x128xi32, #tpu.memory_space<vmem>>, vector<1x16xi32>,
    %get3A_1263 = vector.shape_cast %get3A_1262 : vector<1x16xi32> to vector<16xi32>
    %shift_right_arithmetic3A_1264 = arith.constant 14 : i32
    %shift_right_arithmetic3A_1265 = vector.broadcast %shift_right_arithmetic3A_1264 : i32 to vector<16xi32>
    %shift_right_arithmetic3A_1266 = arith.shrsi %get3A_1263, %shift_right_arithmetic3A_1265 : vector<16xi32>
    %shift_left3A_1267 = arith.constant 12 : i32
    %shift_left3A_1268 = vector.broadcast %shift_left3A_1267 : i32 to vector<16xi32>
    %shift_left3A_1269 = arith.shli %shift_right_arithmetic3A_1266, %shift_left3A_1268 : vector<16xi32>
    %and3A_1270 = arith.constant 4095 : i32
    %and3A_1271 = vector.broadcast %and3A_1270 : i32 to vector<16xi32>
    %and3A_1272 = arith.andi %get3A_1263, %and3A_1271 : vector<16xi32>
    %or3A_1273 = arith.ori %shift_left3A_1269, %and3A_1272 : vector<16xi32>
    %swap3A_1274 = arith.constant 3 : i32
    %swap3A_1275 = arith.index_cast %swap3A_1274 : i32 to index
    %swap3A_1276 = arith.constant 96 : index
    %swap3A_1277 = tpu.vector_load %arg8[%swap3A_1275, %swap3A_1276] {strides = array<i32>} : memref<4x128xi32, #tpu.memory_space<vmem>>, vector<1x16xi32>,
    %swap3A_1278 = vector.shape_cast %swap3A_1277 : vector<1x16xi32> to vector<16xi32>
    %swap3A_1279 = vector.shape_cast %or3A_1273 : vector<16xi32> to vector<1x16xi32>
    tpu.vector_store %arg8[%swap3A_1275, %swap3A_1276], %swap3A_1279 {strides = array<i32>} : memref<4x128xi32, #tpu.memory_space<vmem>>, vector<1x16xi32>,
    %get3A_1280 = arith.constant 3 : i32
    %get3A_1281 = arith.index_cast %get3A_1280 : i32 to index
    %get3A_1282 = arith.constant 96 : index
    %get3A_1283 = tpu.vector_load %arg9[%get3A_1281, %get3A_1282] {strides = array<i32>} : memref<4x128xi32, #tpu.memory_space<vmem>>, vector<1x16xi32>,
    %get3A_1284 = vector.shape_cast %get3A_1283 : vector<1x16xi32> to vector<16xi32>
    %shift_right_arithmetic3A_1285 = arith.constant 14 : i32
    %shift_right_arithmetic3A_1286 = vector.broadcast %shift_right_arithmetic3A_1285 : i32 to vector<16xi32>
    %shift_right_arithmetic3A_1287 = arith.shrsi %get3A_1284, %shift_right_arithmetic3A_1286 : vector<16xi32>
    %shift_left3A_1288 = arith.constant 10 : i32
    %shift_left3A_1289 = vector.broadcast %shift_left3A_1288 : i32 to vector<16xi32>
    %shift_left3A_1290 = arith.shli %shift_right_arithmetic3A_1287, %shift_left3A_1289 : vector<16xi32>
    %and3A_1291 = arith.constant 1023 : i32
    %and3A_1292 = vector.broadcast %and3A_1291 : i32 to vector<16xi32>
    %and3A_1293 = arith.andi %get3A_1284, %and3A_1292 : vector<16xi32>
    %or3A_1294 = arith.ori %shift_left3A_1290, %and3A_1293 : vector<16xi32>
    %swap3A_1295 = arith.constant 3 : i32
    %swap3A_1296 = arith.index_cast %swap3A_1295 : i32 to index
    %swap3A_1297 = arith.constant 96 : index
    %swap3A_1298 = tpu.vector_load %arg9[%swap3A_1296, %swap3A_1297] {strides = array<i32>} : memref<4x128xi32, #tpu.memory_space<vmem>>, vector<1x16xi32>,
    %swap3A_1299 = vector.shape_cast %swap3A_1298 : vector<1x16xi32> to vector<16xi32>
    %swap3A_1300 = vector.shape_cast %or3A_1294 : vector<16xi32> to vector<1x16xi32>
    tpu.vector_store %arg9[%swap3A_1296, %swap3A_1297], %swap3A_1300 {strides = array<i32>} : memref<4x128xi32, #tpu.memory_space<vmem>>, vector<1x16xi32>,
    %get3A_1301 = arith.constant 3 : i32
    %get3A_1302 = arith.index_cast %get3A_1301 : i32 to index
    %get3A_1303 = arith.constant 112 : index
    %get3A_1304 = tpu.vector_load %arg8[%get3A_1302, %get3A_1303] {strides = array<i32>} : memref<4x128xi32, #tpu.memory_space<vmem>>, vector<1x16xi32>,
    %get3A_1305 = vector.shape_cast %get3A_1304 : vector<1x16xi32> to vector<16xi32>
    %shift_right_arithmetic3A_1306 = arith.constant 14 : i32
    %shift_right_arithmetic3A_1307 = vector.broadcast %shift_right_arithmetic3A_1306 : i32 to vector<16xi32>
    %shift_right_arithmetic3A_1308 = arith.shrsi %get3A_1305, %shift_right_arithmetic3A_1307 : vector<16xi32>
    %shift_left3A_1309 = arith.constant 12 : i32
    %shift_left3A_1310 = vector.broadcast %shift_left3A_1309 : i32 to vector<16xi32>
    %shift_left3A_1311 = arith.shli %shift_right_arithmetic3A_1308, %shift_left3A_1310 : vector<16xi32>
    %and3A_1312 = arith.constant 4095 : i32
    %and3A_1313 = vector.broadcast %and3A_1312 : i32 to vector<16xi32>
    %and3A_1314 = arith.andi %get3A_1305, %and3A_1313 : vector<16xi32>
    %or3A_1315 = arith.ori %shift_left3A_1311, %and3A_1314 : vector<16xi32>
    %swap3A_1316 = arith.constant 3 : i32
    %swap3A_1317 = arith.index_cast %swap3A_1316 : i32 to index
    %swap3A_1318 = arith.constant 112 : index
    %swap3A_1319 = tpu.vector_load %arg8[%swap3A_1317, %swap3A_1318] {strides = array<i32>} : memref<4x128xi32, #tpu.memory_space<vmem>>, vector<1x16xi32>,
    %swap3A_1320 = vector.shape_cast %swap3A_1319 : vector<1x16xi32> to vector<16xi32>
    %swap3A_1321 = vector.shape_cast %or3A_1315 : vector<16xi32> to vector<1x16xi32>
    tpu.vector_store %arg8[%swap3A_1317, %swap3A_1318], %swap3A_1321 {strides = array<i32>} : memref<4x128xi32, #tpu.memory_space<vmem>>, vector<1x16xi32>,
    %get3A_1322 = arith.constant 3 : i32
    %get3A_1323 = arith.index_cast %get3A_1322 : i32 to index
    %get3A_1324 = arith.constant 112 : index
    %get3A_1325 = tpu.vector_load %arg9[%get3A_1323, %get3A_1324] {strides = array<i32>} : memref<4x128xi32, #tpu.memory_space<vmem>>, vector<1x16xi32>,
    %get3A_1326 = vector.shape_cast %get3A_1325 : vector<1x16xi32> to vector<16xi32>
    %shift_right_arithmetic3A_1327 = arith.constant 14 : i32
    %shift_right_arithmetic3A_1328 = vector.broadcast %shift_right_arithmetic3A_1327 : i32 to vector<16xi32>
    %shift_right_arithmetic3A_1329 = arith.shrsi %get3A_1326, %shift_right_arithmetic3A_1328 : vector<16xi32>
    %shift_left3A_1330 = arith.constant 10 : i32
    %shift_left3A_1331 = vector.broadcast %shift_left3A_1330 : i32 to vector<16xi32>
    %shift_left3A_1332 = arith.shli %shift_right_arithmetic3A_1329, %shift_left3A_1331 : vector<16xi32>
    %and3A_1333 = arith.constant 1023 : i32
    %and3A_1334 = vector.broadcast %and3A_1333 : i32 to vector<16xi32>
    %and3A_1335 = arith.andi %get3A_1326, %and3A_1334 : vector<16xi32>
    %or3A_1336 = arith.ori %shift_left3A_1332, %and3A_1335 : vector<16xi32>
    %swap3A_1337 = arith.constant 3 : i32
    %swap3A_1338 = arith.index_cast %swap3A_1337 : i32 to index
    %swap3A_1339 = arith.constant 112 : index
    %swap3A_1340 = tpu.vector_load %arg9[%swap3A_1338, %swap3A_1339] {strides = array<i32>} : memref<4x128xi32, #tpu.memory_space<vmem>>, vector<1x16xi32>,
    %swap3A_1341 = vector.shape_cast %swap3A_1340 : vector<1x16xi32> to vector<16xi32>
    %swap3A_1342 = vector.shape_cast %or3A_1336 : vector<16xi32> to vector<1x16xi32>
    tpu.vector_store %arg9[%swap3A_1338, %swap3A_1339], %swap3A_1342 {strides = array<i32>} : memref<4x128xi32, #tpu.memory_space<vmem>>, vector<1x16xi32>,
    %dma_start3A = arith.constant 0 : i32
    %dma_start3A_1343 = arith.constant 0 : i32
    %dma_start3A_1344 = arith.constant 0 : i32
    %dma_start3A_1345 = tpu.memref_slice %arg10[%dma_start3A_1343, %dma_start3A_1344] : memref<512x128xf32, #tpu.memory_space<vmem>> -> memref<128x128xf32, #tpu.memory_space<vmem>>
    %dma_start3A_1346 = arith.constant 0 : i32
    %dma_start3A_1347 = tpu.memref_slice %arg8[%dma_start3A, %dma_start3A_1346] : memref<4x128xi32, #tpu.memory_space<vmem>> -> memref<1x128xi32, #tpu.memory_space<vmem>>
    %dma_start3A_1348 = tpu.memref_squeeze %dma_start3A_1347 : memref<1x128xi32, #tpu.memory_space<vmem>> -> memref<128xi32, #tpu.memory_space<vmem>>
    %dma_start3A_1349 = arith.constant 0 : i32
    %dma_start3A_1350 = arith.constant 0 : i32
    %dma_start3A_1351 = tpu.memref_slice %arg4[%dma_start3A_1349, %dma_start3A_1350] : memref<253952x128xf32, #tpu.memory_space<hbm>> -> memref<253952x128xf32, #tpu.memory_space<hbm>>
    tpu.enqueue_indirect_dma source(%dma_start3A_1351 : memref<253952x128xf32, #tpu.memory_space<hbm>>) target(%dma_start3A_1345 : memref<128x128xf32, #tpu.memory_space<vmem>>) offsets(%dma_start3A_1348 : memref<128xi32, #tpu.memory_space<vmem>>) semaphore(%arg11 : memref<!tpu.dma_semaphore, #tpu.memory_space<semaphore_mem>>)
    %dma_start3A_1352 = arith.constant 1 : i32
    %dma_start3A_1353 = arith.constant 128 : i32
    %dma_start3A_1354 = arith.constant 0 : i32
    %dma_start3A_1355 = tpu.memref_slice %arg10[%dma_start3A_1353, %dma_start3A_1354] : memref<512x128xf32, #tpu.memory_space<vmem>> -> memref<128x128xf32, #tpu.memory_space<vmem>>
    %dma_start3A_1356 = arith.constant 0 : i32
    %dma_start3A_1357 = tpu.memref_slice %arg8[%dma_start3A_1352, %dma_start3A_1356] : memref<4x128xi32, #tpu.memory_space<vmem>> -> memref<1x128xi32, #tpu.memory_space<vmem>>
    %dma_start3A_1358 = tpu.memref_squeeze %dma_start3A_1357 : memref<1x128xi32, #tpu.memory_space<vmem>> -> memref<128xi32, #tpu.memory_space<vmem>>
    %dma_start3A_1359 = arith.constant 0 : i32
    %dma_start3A_1360 = arith.constant 0 : i32
    %dma_start3A_1361 = tpu.memref_slice %arg4[%dma_start3A_1359, %dma_start3A_1360] : memref<253952x128xf32, #tpu.memory_space<hbm>> -> memref<253952x128xf32, #tpu.memory_space<hbm>>
    tpu.enqueue_indirect_dma source(%dma_start3A_1361 : memref<253952x128xf32, #tpu.memory_space<hbm>>) target(%dma_start3A_1355 : memref<128x128xf32, #tpu.memory_space<vmem>>) offsets(%dma_start3A_1358 : memref<128xi32, #tpu.memory_space<vmem>>) semaphore(%arg11 : memref<!tpu.dma_semaphore, #tpu.memory_space<semaphore_mem>>)
    %dma_start3A_1362 = arith.constant 2 : i32
    %dma_start3A_1363 = arith.constant 256 : i32
    %dma_start3A_1364 = arith.constant 0 : i32
    %dma_start3A_1365 = tpu.memref_slice %arg10[%dma_start3A_1363, %dma_start3A_1364] : memref<512x128xf32, #tpu.memory_space<vmem>> -> memref<128x128xf32, #tpu.memory_space<vmem>>
    %dma_start3A_1366 = arith.constant 0 : i32
    %dma_start3A_1367 = tpu.memref_slice %arg8[%dma_start3A_1362, %dma_start3A_1366] : memref<4x128xi32, #tpu.memory_space<vmem>> -> memref<1x128xi32, #tpu.memory_space<vmem>>
    %dma_start3A_1368 = tpu.memref_squeeze %dma_start3A_1367 : memref<1x128xi32, #tpu.memory_space<vmem>> -> memref<128xi32, #tpu.memory_space<vmem>>
    %dma_start3A_1369 = arith.constant 0 : i32
    %dma_start3A_1370 = arith.constant 0 : i32
    %dma_start3A_1371 = tpu.memref_slice %arg4[%dma_start3A_1369, %dma_start3A_1370] : memref<253952x128xf32, #tpu.memory_space<hbm>> -> memref<253952x128xf32, #tpu.memory_space<hbm>>
    tpu.enqueue_indirect_dma source(%dma_start3A_1371 : memref<253952x128xf32, #tpu.memory_space<hbm>>) target(%dma_start3A_1365 : memref<128x128xf32, #tpu.memory_space<vmem>>) offsets(%dma_start3A_1368 : memref<128xi32, #tpu.memory_space<vmem>>) semaphore(%arg11 : memref<!tpu.dma_semaphore, #tpu.memory_space<semaphore_mem>>)
    %dma_start3A_1372 = arith.constant 3 : i32
    %dma_start3A_1373 = arith.constant 384 : i32
    %dma_start3A_1374 = arith.constant 0 : i32
    %dma_start3A_1375 = tpu.memref_slice %arg10[%dma_start3A_1373, %dma_start3A_1374] : memref<512x128xf32, #tpu.memory_space<vmem>> -> memref<128x128xf32, #tpu.memory_space<vmem>>
    %dma_start3A_1376 = arith.constant 0 : i32
    %dma_start3A_1377 = tpu.memref_slice %arg8[%dma_start3A_1372, %dma_start3A_1376] : memref<4x128xi32, #tpu.memory_space<vmem>> -> memref<1x128xi32, #tpu.memory_space<vmem>>
    %dma_start3A_1378 = tpu.memref_squeeze %dma_start3A_1377 : memref<1x128xi32, #tpu.memory_space<vmem>> -> memref<128xi32, #tpu.memory_space<vmem>>
    %dma_start3A_1379 = arith.constant 0 : i32
    %dma_start3A_1380 = arith.constant 0 : i32
    %dma_start3A_1381 = tpu.memref_slice %arg4[%dma_start3A_1379, %dma_start3A_1380] : memref<253952x128xf32, #tpu.memory_space<hbm>> -> memref<253952x128xf32, #tpu.memory_space<hbm>>
    tpu.enqueue_indirect_dma source(%dma_start3A_1381 : memref<253952x128xf32, #tpu.memory_space<hbm>>) target(%dma_start3A_1375 : memref<128x128xf32, #tpu.memory_space<vmem>>) offsets(%dma_start3A_1378 : memref<128xi32, #tpu.memory_space<vmem>>) semaphore(%arg11 : memref<!tpu.dma_semaphore, #tpu.memory_space<semaphore_mem>>)
    %dma_wait3A = arith.constant 0 : i32
    %dma_wait3A_1382 = arith.constant 0 : i32
    %dma_wait3A_1383 = arith.constant 0 : i32
    %dma_wait3A_1384 = tpu.memref_slice %arg10[%dma_wait3A_1382, %dma_wait3A_1383] : memref<512x128xf32, #tpu.memory_space<vmem>> -> memref<128x128xf32, #tpu.memory_space<vmem>>
    %dma_wait3A_1385 = arith.constant 0 : i32
    %dma_wait3A_1386 = tpu.memref_slice %arg8[%dma_wait3A, %dma_wait3A_1385] : memref<4x128xi32, #tpu.memory_space<vmem>> -> memref<1x128xi32, #tpu.memory_space<vmem>>
    %dma_wait3A_1387 = tpu.memref_squeeze %dma_wait3A_1386 : memref<1x128xi32, #tpu.memory_space<vmem>> -> memref<128xi32, #tpu.memory_space<vmem>>
    %dma_wait3A_1388 = arith.constant 0 : i32
    %dma_wait3A_1389 = arith.constant 0 : i32
    %dma_wait3A_1390 = tpu.memref_slice %arg4[%dma_wait3A_1388, %dma_wait3A_1389] : memref<253952x128xf32, #tpu.memory_space<hbm>> -> memref<253952x128xf32, #tpu.memory_space<hbm>>
    tpu.wait_indirect_dma semaphore(%arg11 : memref<!tpu.dma_semaphore, #tpu.memory_space<semaphore_mem>>) src(%dma_wait3A_1390 : memref<253952x128xf32, #tpu.memory_space<hbm>>) dst(%dma_wait3A_1384 : memref<128x128xf32, #tpu.memory_space<vmem>>)
    %dma_wait3A_1391 = arith.constant 1 : i32
    %dma_wait3A_1392 = arith.constant 128 : i32
    %dma_wait3A_1393 = arith.constant 0 : i32
    %dma_wait3A_1394 = tpu.memref_slice %arg10[%dma_wait3A_1392, %dma_wait3A_1393] : memref<512x128xf32, #tpu.memory_space<vmem>> -> memref<128x128xf32, #tpu.memory_space<vmem>>
    %dma_wait3A_1395 = arith.constant 0 : i32
    %dma_wait3A_1396 = tpu.memref_slice %arg8[%dma_wait3A_1391, %dma_wait3A_1395] : memref<4x128xi32, #tpu.memory_space<vmem>> -> memref<1x128xi32, #tpu.memory_space<vmem>>
    %dma_wait3A_1397 = tpu.memref_squeeze %dma_wait3A_1396 : memref<1x128xi32, #tpu.memory_space<vmem>> -> memref<128xi32, #tpu.memory_space<vmem>>
    %dma_wait3A_1398 = arith.constant 0 : i32
    %dma_wait3A_1399 = arith.constant 0 : i32
    %dma_wait3A_1400 = tpu.memref_slice %arg4[%dma_wait3A_1398, %dma_wait3A_1399] : memref<253952x128xf32, #tpu.memory_space<hbm>> -> memref<253952x128xf32, #tpu.memory_space<hbm>>
    tpu.wait_indirect_dma semaphore(%arg11 : memref<!tpu.dma_semaphore, #tpu.memory_space<semaphore_mem>>) src(%dma_wait3A_1400 : memref<253952x128xf32, #tpu.memory_space<hbm>>) dst(%dma_wait3A_1394 : memref<128x128xf32, #tpu.memory_space<vmem>>)
    %dma_wait3A_1401 = arith.constant 2 : i32
    %dma_wait3A_1402 = arith.constant 256 : i32
    %dma_wait3A_1403 = arith.constant 0 : i32
    %dma_wait3A_1404 = tpu.memref_slice %arg10[%dma_wait3A_1402, %dma_wait3A_1403] : memref<512x128xf32, #tpu.memory_space<vmem>> -> memref<128x128xf32, #tpu.memory_space<vmem>>
    %dma_wait3A_1405 = arith.constant 0 : i32
    %dma_wait3A_1406 = tpu.memref_slice %arg8[%dma_wait3A_1401, %dma_wait3A_1405] : memref<4x128xi32, #tpu.memory_space<vmem>> -> memref<1x128xi32, #tpu.memory_space<vmem>>
    %dma_wait3A_1407 = tpu.memref_squeeze %dma_wait3A_1406 : memref<1x128xi32, #tpu.memory_space<vmem>> -> memref<128xi32, #tpu.memory_space<vmem>>
    %dma_wait3A_1408 = arith.constant 0 : i32
    %dma_wait3A_1409 = arith.constant 0 : i32
    %dma_wait3A_1410 = tpu.memref_slice %arg4[%dma_wait3A_1408, %dma_wait3A_1409] : memref<253952x128xf32, #tpu.memory_space<hbm>> -> memref<253952x128xf32, #tpu.memory_space<hbm>>
    tpu.wait_indirect_dma semaphore(%arg11 : memref<!tpu.dma_semaphore, #tpu.memory_space<semaphore_mem>>) src(%dma_wait3A_1410 : memref<253952x128xf32, #tpu.memory_space<hbm>>) dst(%dma_wait3A_1404 : memref<128x128xf32, #tpu.memory_space<vmem>>)
    %dma_wait3A_1411 = arith.constant 3 : i32
    %dma_wait3A_1412 = arith.constant 384 : i32
    %dma_wait3A_1413 = arith.constant 0 : i32
    %dma_wait3A_1414 = tpu.memref_slice %arg10[%dma_wait3A_1412, %dma_wait3A_1413] : memref<512x128xf32, #tpu.memory_space<vmem>> -> memref<128x128xf32, #tpu.memory_space<vmem>>
    %dma_wait3A_1415 = arith.constant 0 : i32
    %dma_wait3A_1416 = tpu.memref_slice %arg8[%dma_wait3A_1411, %dma_wait3A_1415] : memref<4x128xi32, #tpu.memory_space<vmem>> -> memref<1x128xi32, #tpu.memory_space<vmem>>
    %dma_wait3A_1417 = tpu.memref_squeeze %dma_wait3A_1416 : memref<1x128xi32, #tpu.memory_space<vmem>> -> memref<128xi32, #tpu.memory_space<vmem>>
    %dma_wait3A_1418 = arith.constant 0 : i32
    %dma_wait3A_1419 = arith.constant 0 : i32
    %dma_wait3A_1420 = tpu.memref_slice %arg4[%dma_wait3A_1418, %dma_wait3A_1419] : memref<253952x128xf32, #tpu.memory_space<hbm>> -> memref<253952x128xf32, #tpu.memory_space<hbm>>
    tpu.wait_indirect_dma semaphore(%arg11 : memref<!tpu.dma_semaphore, #tpu.memory_space<semaphore_mem>>) src(%dma_wait3A_1420 : memref<253952x128xf32, #tpu.memory_space<hbm>>) dst(%dma_wait3A_1414 : memref<128x128xf32, #tpu.memory_space<vmem>>)
    "tpu.region"() ({
      %run_scoped3A = tpu.sem_alloc : memref<!tpu.dma_semaphore, #tpu.memory_space<semaphore_mem>>
      %dma_start3A_1501 = arith.constant 0 : i32
      %dma_start3A_1502 = tpu.memref_slice %arg6[%mul3A_4, %dma_start3A_1501] : memref<16384x128xf32, #tpu.memory_space<hbm>> -> memref<512x128xf32, #tpu.memory_space<hbm>>
      %dma_start3A_1503 = arith.constant 0 : i32
      %dma_start3A_1504 = tpu.memref_slice %arg6[%mul3A_4, %dma_start3A_1503] : memref<16384x128xf32, #tpu.memory_space<hbm>> -> memref<512x128xf32, #tpu.memory_space<hbm>>
      tpu.enqueue_dma source(%arg10 : memref<512x128xf32, #tpu.memory_space<vmem>>) target(%dma_start3A_1504 : memref<512x128xf32, #tpu.memory_space<hbm>>) target_semaphore(%run_scoped3A : memref<!tpu.dma_semaphore, #tpu.memory_space<semaphore_mem>>)
      %dma_wait3A_1505 = arith.constant 0 : i32
      %dma_wait3A_1506 = tpu.memref_slice %arg6[%mul3A_4, %dma_wait3A_1505] : memref<16384x128xf32, #tpu.memory_space<hbm>> -> memref<512x128xf32, #tpu.memory_space<hbm>>
      %dma_wait3A_1507 = arith.constant 0 : i32
      %dma_wait3A_1508 = tpu.memref_slice %arg6[%mul3A_4, %dma_wait3A_1507] : memref<16384x128xf32, #tpu.memory_space<hbm>> -> memref<512x128xf32, #tpu.memory_space<hbm>>
      tpu.wait_dma2 semaphore(%run_scoped3A : memref<!tpu.dma_semaphore, #tpu.memory_space<semaphore_mem>>) src(%arg10 : memref<512x128xf32, #tpu.memory_space<vmem>>) dst(%dma_wait3A_1508 : memref<512x128xf32, #tpu.memory_space<hbm>>)
      tpu.yield
    }) : () -> ()
    %dma_start3A_1421 = arith.constant 0 : i32
    %dma_start3A_1422 = arith.constant 0 : i32
    %dma_start3A_1423 = arith.constant 0 : i32
    %dma_start3A_1424 = tpu.memref_slice %arg10[%dma_start3A_1422, %dma_start3A_1423] : memref<512x128xf32, #tpu.memory_space<vmem>> -> memref<128x128xf32, #tpu.memory_space<vmem>>
    %dma_start3A_1425 = arith.constant 0 : i32
    %dma_start3A_1426 = tpu.memref_slice %arg9[%dma_start3A_1421, %dma_start3A_1425] : memref<4x128xi32, #tpu.memory_space<vmem>> -> memref<1x128xi32, #tpu.memory_space<vmem>>
    %dma_start3A_1427 = tpu.memref_squeeze %dma_start3A_1426 : memref<1x128xi32, #tpu.memory_space<vmem>> -> memref<128xi32, #tpu.memory_space<vmem>>
    %dma_start3A_1428 = arith.constant 0 : i32
    %dma_start3A_1429 = arith.constant 0 : i32
    %dma_start3A_1430 = tpu.memref_slice %arg5[%dma_start3A_1428, %dma_start3A_1429] : memref<7168x128xf32, #tpu.memory_space<hbm>> -> memref<7168x128xf32, #tpu.memory_space<hbm>>
    tpu.enqueue_indirect_dma source(%dma_start3A_1430 : memref<7168x128xf32, #tpu.memory_space<hbm>>) target(%dma_start3A_1424 : memref<128x128xf32, #tpu.memory_space<vmem>>) offsets(%dma_start3A_1427 : memref<128xi32, #tpu.memory_space<vmem>>) semaphore(%arg11 : memref<!tpu.dma_semaphore, #tpu.memory_space<semaphore_mem>>)
    %dma_start3A_1431 = arith.constant 1 : i32
    %dma_start3A_1432 = arith.constant 128 : i32
    %dma_start3A_1433 = arith.constant 0 : i32
    %dma_start3A_1434 = tpu.memref_slice %arg10[%dma_start3A_1432, %dma_start3A_1433] : memref<512x128xf32, #tpu.memory_space<vmem>> -> memref<128x128xf32, #tpu.memory_space<vmem>>
    %dma_start3A_1435 = arith.constant 0 : i32
    %dma_start3A_1436 = tpu.memref_slice %arg9[%dma_start3A_1431, %dma_start3A_1435] : memref<4x128xi32, #tpu.memory_space<vmem>> -> memref<1x128xi32, #tpu.memory_space<vmem>>
    %dma_start3A_1437 = tpu.memref_squeeze %dma_start3A_1436 : memref<1x128xi32, #tpu.memory_space<vmem>> -> memref<128xi32, #tpu.memory_space<vmem>>
    %dma_start3A_1438 = arith.constant 0 : i32
    %dma_start3A_1439 = arith.constant 0 : i32
    %dma_start3A_1440 = tpu.memref_slice %arg5[%dma_start3A_1438, %dma_start3A_1439] : memref<7168x128xf32, #tpu.memory_space<hbm>> -> memref<7168x128xf32, #tpu.memory_space<hbm>>
    tpu.enqueue_indirect_dma source(%dma_start3A_1440 : memref<7168x128xf32, #tpu.memory_space<hbm>>) target(%dma_start3A_1434 : memref<128x128xf32, #tpu.memory_space<vmem>>) offsets(%dma_start3A_1437 : memref<128xi32, #tpu.memory_space<vmem>>) semaphore(%arg11 : memref<!tpu.dma_semaphore, #tpu.memory_space<semaphore_mem>>)
    %dma_start3A_1441 = arith.constant 2 : i32
    %dma_start3A_1442 = arith.constant 256 : i32
    %dma_start3A_1443 = arith.constant 0 : i32
    %dma_start3A_1444 = tpu.memref_slice %arg10[%dma_start3A_1442, %dma_start3A_1443] : memref<512x128xf32, #tpu.memory_space<vmem>> -> memref<128x128xf32, #tpu.memory_space<vmem>>
    %dma_start3A_1445 = arith.constant 0 : i32
    %dma_start3A_1446 = tpu.memref_slice %arg9[%dma_start3A_1441, %dma_start3A_1445] : memref<4x128xi32, #tpu.memory_space<vmem>> -> memref<1x128xi32, #tpu.memory_space<vmem>>
    %dma_start3A_1447 = tpu.memref_squeeze %dma_start3A_1446 : memref<1x128xi32, #tpu.memory_space<vmem>> -> memref<128xi32, #tpu.memory_space<vmem>>
    %dma_start3A_1448 = arith.constant 0 : i32
    %dma_start3A_1449 = arith.constant 0 : i32
    %dma_start3A_1450 = tpu.memref_slice %arg5[%dma_start3A_1448, %dma_start3A_1449] : memref<7168x128xf32, #tpu.memory_space<hbm>> -> memref<7168x128xf32, #tpu.memory_space<hbm>>
    tpu.enqueue_indirect_dma source(%dma_start3A_1450 : memref<7168x128xf32, #tpu.memory_space<hbm>>) target(%dma_start3A_1444 : memref<128x128xf32, #tpu.memory_space<vmem>>) offsets(%dma_start3A_1447 : memref<128xi32, #tpu.memory_space<vmem>>) semaphore(%arg11 : memref<!tpu.dma_semaphore, #tpu.memory_space<semaphore_mem>>)
    %dma_start3A_1451 = arith.constant 3 : i32
    %dma_start3A_1452 = arith.constant 384 : i32
    %dma_start3A_1453 = arith.constant 0 : i32
    %dma_start3A_1454 = tpu.memref_slice %arg10[%dma_start3A_1452, %dma_start3A_1453] : memref<512x128xf32, #tpu.memory_space<vmem>> -> memref<128x128xf32, #tpu.memory_space<vmem>>
    %dma_start3A_1455 = arith.constant 0 : i32
    %dma_start3A_1456 = tpu.memref_slice %arg9[%dma_start3A_1451, %dma_start3A_1455] : memref<4x128xi32, #tpu.memory_space<vmem>> -> memref<1x128xi32, #tpu.memory_space<vmem>>
    %dma_start3A_1457 = tpu.memref_squeeze %dma_start3A_1456 : memref<1x128xi32, #tpu.memory_space<vmem>> -> memref<128xi32, #tpu.memory_space<vmem>>
    %dma_start3A_1458 = arith.constant 0 : i32
    %dma_start3A_1459 = arith.constant 0 : i32
    %dma_start3A_1460 = tpu.memref_slice %arg5[%dma_start3A_1458, %dma_start3A_1459] : memref<7168x128xf32, #tpu.memory_space<hbm>> -> memref<7168x128xf32, #tpu.memory_space<hbm>>
    tpu.enqueue_indirect_dma source(%dma_start3A_1460 : memref<7168x128xf32, #tpu.memory_space<hbm>>) target(%dma_start3A_1454 : memref<128x128xf32, #tpu.memory_space<vmem>>) offsets(%dma_start3A_1457 : memref<128xi32, #tpu.memory_space<vmem>>) semaphore(%arg11 : memref<!tpu.dma_semaphore, #tpu.memory_space<semaphore_mem>>)
    %dma_wait3A_1461 = arith.constant 0 : i32
    %dma_wait3A_1462 = arith.constant 0 : i32
    %dma_wait3A_1463 = arith.constant 0 : i32
    %dma_wait3A_1464 = tpu.memref_slice %arg10[%dma_wait3A_1462, %dma_wait3A_1463] : memref<512x128xf32, #tpu.memory_space<vmem>> -> memref<128x128xf32, #tpu.memory_space<vmem>>
    %dma_wait3A_1465 = arith.constant 0 : i32
    %dma_wait3A_1466 = tpu.memref_slice %arg9[%dma_wait3A_1461, %dma_wait3A_1465] : memref<4x128xi32, #tpu.memory_space<vmem>> -> memref<1x128xi32, #tpu.memory_space<vmem>>
    %dma_wait3A_1467 = tpu.memref_squeeze %dma_wait3A_1466 : memref<1x128xi32, #tpu.memory_space<vmem>> -> memref<128xi32, #tpu.memory_space<vmem>>
    %dma_wait3A_1468 = arith.constant 0 : i32
    %dma_wait3A_1469 = arith.constant 0 : i32
    %dma_wait3A_1470 = tpu.memref_slice %arg5[%dma_wait3A_1468, %dma_wait3A_1469] : memref<7168x128xf32, #tpu.memory_space<hbm>> -> memref<7168x128xf32, #tpu.memory_space<hbm>>
    tpu.wait_indirect_dma semaphore(%arg11 : memref<!tpu.dma_semaphore, #tpu.memory_space<semaphore_mem>>) src(%dma_wait3A_1470 : memref<7168x128xf32, #tpu.memory_space<hbm>>) dst(%dma_wait3A_1464 : memref<128x128xf32, #tpu.memory_space<vmem>>)
    %dma_wait3A_1471 = arith.constant 1 : i32
    %dma_wait3A_1472 = arith.constant 128 : i32
    %dma_wait3A_1473 = arith.constant 0 : i32
    %dma_wait3A_1474 = tpu.memref_slice %arg10[%dma_wait3A_1472, %dma_wait3A_1473] : memref<512x128xf32, #tpu.memory_space<vmem>> -> memref<128x128xf32, #tpu.memory_space<vmem>>
    %dma_wait3A_1475 = arith.constant 0 : i32
    %dma_wait3A_1476 = tpu.memref_slice %arg9[%dma_wait3A_1471, %dma_wait3A_1475] : memref<4x128xi32, #tpu.memory_space<vmem>> -> memref<1x128xi32, #tpu.memory_space<vmem>>
    %dma_wait3A_1477 = tpu.memref_squeeze %dma_wait3A_1476 : memref<1x128xi32, #tpu.memory_space<vmem>> -> memref<128xi32, #tpu.memory_space<vmem>>
    %dma_wait3A_1478 = arith.constant 0 : i32
    %dma_wait3A_1479 = arith.constant 0 : i32
    %dma_wait3A_1480 = tpu.memref_slice %arg5[%dma_wait3A_1478, %dma_wait3A_1479] : memref<7168x128xf32, #tpu.memory_space<hbm>> -> memref<7168x128xf32, #tpu.memory_space<hbm>>
    tpu.wait_indirect_dma semaphore(%arg11 : memref<!tpu.dma_semaphore, #tpu.memory_space<semaphore_mem>>) src(%dma_wait3A_1480 : memref<7168x128xf32, #tpu.memory_space<hbm>>) dst(%dma_wait3A_1474 : memref<128x128xf32, #tpu.memory_space<vmem>>)
    %dma_wait3A_1481 = arith.constant 2 : i32
    %dma_wait3A_1482 = arith.constant 256 : i32
    %dma_wait3A_1483 = arith.constant 0 : i32
    %dma_wait3A_1484 = tpu.memref_slice %arg10[%dma_wait3A_1482, %dma_wait3A_1483] : memref<512x128xf32, #tpu.memory_space<vmem>> -> memref<128x128xf32, #tpu.memory_space<vmem>>
    %dma_wait3A_1485 = arith.constant 0 : i32
    %dma_wait3A_1486 = tpu.memref_slice %arg9[%dma_wait3A_1481, %dma_wait3A_1485] : memref<4x128xi32, #tpu.memory_space<vmem>> -> memref<1x128xi32, #tpu.memory_space<vmem>>
    %dma_wait3A_1487 = tpu.memref_squeeze %dma_wait3A_1486 : memref<1x128xi32, #tpu.memory_space<vmem>> -> memref<128xi32, #tpu.memory_space<vmem>>
    %dma_wait3A_1488 = arith.constant 0 : i32
    %dma_wait3A_1489 = arith.constant 0 : i32
    %dma_wait3A_1490 = tpu.memref_slice %arg5[%dma_wait3A_1488, %dma_wait3A_1489] : memref<7168x128xf32, #tpu.memory_space<hbm>> -> memref<7168x128xf32, #tpu.memory_space<hbm>>
    tpu.wait_indirect_dma semaphore(%arg11 : memref<!tpu.dma_semaphore, #tpu.memory_space<semaphore_mem>>) src(%dma_wait3A_1490 : memref<7168x128xf32, #tpu.memory_space<hbm>>) dst(%dma_wait3A_1484 : memref<128x128xf32, #tpu.memory_space<vmem>>)
    %dma_wait3A_1491 = arith.constant 3 : i32
    %dma_wait3A_1492 = arith.constant 384 : i32
    %dma_wait3A_1493 = arith.constant 0 : i32
    %dma_wait3A_1494 = tpu.memref_slice %arg10[%dma_wait3A_1492, %dma_wait3A_1493] : memref<512x128xf32, #tpu.memory_space<vmem>> -> memref<128x128xf32, #tpu.memory_space<vmem>>
    %dma_wait3A_1495 = arith.constant 0 : i32
    %dma_wait3A_1496 = tpu.memref_slice %arg9[%dma_wait3A_1491, %dma_wait3A_1495] : memref<4x128xi32, #tpu.memory_space<vmem>> -> memref<1x128xi32, #tpu.memory_space<vmem>>
    %dma_wait3A_1497 = tpu.memref_squeeze %dma_wait3A_1496 : memref<1x128xi32, #tpu.memory_space<vmem>> -> memref<128xi32, #tpu.memory_space<vmem>>
    %dma_wait3A_1498 = arith.constant 0 : i32
    %dma_wait3A_1499 = arith.constant 0 : i32
    %dma_wait3A_1500 = tpu.memref_slice %arg5[%dma_wait3A_1498, %dma_wait3A_1499] : memref<7168x128xf32, #tpu.memory_space<hbm>> -> memref<7168x128xf32, #tpu.memory_space<hbm>>
    tpu.wait_indirect_dma semaphore(%arg11 : memref<!tpu.dma_semaphore, #tpu.memory_space<semaphore_mem>>) src(%dma_wait3A_1500 : memref<7168x128xf32, #tpu.memory_space<hbm>>) dst(%dma_wait3A_1494 : memref<128x128xf32, #tpu.memory_space<vmem>>)
    "tpu.region"() ({
      %run_scoped3A = tpu.sem_alloc : memref<!tpu.dma_semaphore, #tpu.memory_space<semaphore_mem>>
      %dma_start3A_1501 = arith.constant 0 : i32
      %dma_start3A_1502 = tpu.memref_slice %arg7[%mul3A_4, %dma_start3A_1501] : memref<16384x128xf32, #tpu.memory_space<hbm>> -> memref<512x128xf32, #tpu.memory_space<hbm>>
      %dma_start3A_1503 = arith.constant 0 : i32
      %dma_start3A_1504 = tpu.memref_slice %arg7[%mul3A_4, %dma_start3A_1503] : memref<16384x128xf32, #tpu.memory_space<hbm>> -> memref<512x128xf32, #tpu.memory_space<hbm>>
      tpu.enqueue_dma source(%arg10 : memref<512x128xf32, #tpu.memory_space<vmem>>) target(%dma_start3A_1504 : memref<512x128xf32, #tpu.memory_space<hbm>>) target_semaphore(%run_scoped3A : memref<!tpu.dma_semaphore, #tpu.memory_space<semaphore_mem>>)
      %dma_wait3A_1505 = arith.constant 0 : i32
      %dma_wait3A_1506 = tpu.memref_slice %arg7[%mul3A_4, %dma_wait3A_1505] : memref<16384x128xf32, #tpu.memory_space<hbm>> -> memref<512x128xf32, #tpu.memory_space<hbm>>
      %dma_wait3A_1507 = arith.constant 0 : i32
      %dma_wait3A_1508 = tpu.memref_slice %arg7[%mul3A_4, %dma_wait3A_1507] : memref<16384x128xf32, #tpu.memory_space<hbm>> -> memref<512x128xf32, #tpu.memory_space<hbm>>
      tpu.wait_dma2 semaphore(%run_scoped3A : memref<!tpu.dma_semaphore, #tpu.memory_space<semaphore_mem>>) src(%arg10 : memref<512x128xf32, #tpu.memory_space<vmem>>) dst(%dma_wait3A_1508 : memref<512x128xf32, #tpu.memory_space<hbm>>)
      tpu.yield
    }) : () -> ()
    return
  }
}

module attributes {stable_mosaic.version = 14 : i64} {
  func.func @user_pack(%arg0: i32, %arg1: memref<32x16384xf32, #tpu.memory_space<vmem>>, %arg2: memref<4096x128xf32, #tpu.memory_space<vmem>>) attributes {dimension_semantics = [#tpu.dimension_semantics<arbitrary>], iteration_bounds = array<i64: 62>, scalar_prefetch = 0 : i64, scratch_operands = 0 : i64, tpu.core_type = #tpu.core_type<tc>, window_params = [{transform_indices = @transform_0, window_bounds = array<i64: 32, 16384>}, {transform_indices = @transform_1, window_bounds = array<i64: 4096, 128>}]} {
    %get3A = arith.constant 0 : index
    %get3A_0 = arith.constant 0 : index
    %get3A_1 = vector.load %arg1[%get3A, %get3A_0] : memref<32x16384xf32, #tpu.memory_space<vmem>>, vector<32x16384xf32>
    %iota3A = tpu.iota {dimensions = array<i32: 0>} : vector<32x32xi32>
    %iota3A_2 = tpu.iota {dimensions = array<i32: 1>} : vector<32x32xi32>
    %eq3A = arith.cmpi eq, %iota3A, %iota3A_2 : vector<32x32xi32>
    %convert_element_type3A = arith.extui %eq3A : vector<32x32xi1> to vector<32x32xi32>
    %convert_element_type3A_3 = arith.sitofp %convert_element_type3A : vector<32x32xi32> to vector<32x32xf32>
    %slice3A = vector.extract_strided_slice %get3A_1 {offsets = [0, 0], sizes = [32, 8192], strides = [1, 1]} : vector<32x16384xf32> to vector<32x8192xf32>
    %transpose3A = tpu.transpose %slice3A, [1, 0] : vector<32x8192xf32> -> vector<8192x32xf32>
    %slice3A_4 = vector.extract_strided_slice %get3A_1 {offsets = [0, 8192], sizes = [32, 8192], strides = [1, 1]} : vector<32x16384xf32> to vector<32x8192xf32>
    %dot_general3A = arith.constant dense<0.000000e+00> : vector<8192x32xf32>
    %dot_general3A_5 = tpu.matmul %slice3A_4, %convert_element_type3A_3, %dot_general3A {dimension_numbers = #tpu.dot_dimension_numbers<[0], [0], [1], [1], [0, 1, 1, 1], [], []>, transpose_lhs_hint = false} : vector<32x8192xf32>, vector<32x32xf32>, vector<8192x32xf32> -> vector<8192x32xf32>
    %slice3A_6 = vector.extract_strided_slice %transpose3A {offsets = [0, 0], sizes = [4096, 32], strides = [1, 1]} : vector<8192x32xf32> to vector<4096x32xf32>
    %swap3A = arith.constant 0 : index
    %swap3A_7 = arith.constant 0 : index
    %swap3A_8 = vector.load %arg2[%swap3A, %swap3A_7] : memref<4096x128xf32, #tpu.memory_space<vmem>>, vector<4096x32xf32>
    tpu.vector_store %arg2[%swap3A, %swap3A_7], %slice3A_6 {strides = array<i32>} : memref<4096x128xf32, #tpu.memory_space<vmem>>, vector<4096x32xf32>,
    %slice3A_9 = vector.extract_strided_slice %transpose3A {offsets = [4096, 0], sizes = [4096, 32], strides = [1, 1]} : vector<8192x32xf32> to vector<4096x32xf32>
    %swap3A_10 = arith.constant 0 : index
    %swap3A_11 = arith.constant 32 : index
    %swap3A_12 = vector.load %arg2[%swap3A_10, %swap3A_11] : memref<4096x128xf32, #tpu.memory_space<vmem>>, vector<4096x32xf32>
    tpu.vector_store %arg2[%swap3A_10, %swap3A_11], %slice3A_9 {strides = array<i32>} : memref<4096x128xf32, #tpu.memory_space<vmem>>, vector<4096x32xf32>,
    %slice3A_13 = vector.extract_strided_slice %dot_general3A_5 {offsets = [0, 0], sizes = [4096, 32], strides = [1, 1]} : vector<8192x32xf32> to vector<4096x32xf32>
    %swap3A_14 = arith.constant 0 : index
    %swap3A_15 = arith.constant 64 : index
    %swap3A_16 = vector.load %arg2[%swap3A_14, %swap3A_15] : memref<4096x128xf32, #tpu.memory_space<vmem>>, vector<4096x32xf32>
    tpu.vector_store %arg2[%swap3A_14, %swap3A_15], %slice3A_13 {strides = array<i32>} : memref<4096x128xf32, #tpu.memory_space<vmem>>, vector<4096x32xf32>,
    %slice3A_17 = vector.extract_strided_slice %dot_general3A_5 {offsets = [4096, 0], sizes = [4096, 32], strides = [1, 1]} : vector<8192x32xf32> to vector<4096x32xf32>
    %swap3A_18 = arith.constant 0 : index
    %swap3A_19 = arith.constant 96 : index
    %swap3A_20 = vector.load %arg2[%swap3A_18, %swap3A_19] : memref<4096x128xf32, #tpu.memory_space<vmem>>, vector<4096x32xf32>
    tpu.vector_store %arg2[%swap3A_18, %swap3A_19], %slice3A_17 {strides = array<i32>} : memref<4096x128xf32, #tpu.memory_space<vmem>>, vector<4096x32xf32>,
    return
  }
  func.func @transform_0(%arg0: i32) -> (i32, i32) {
    %c0_i32 = arith.constant 0 : i32
    %c0_i32_0 = arith.constant 0 : i32
    return %c0_i32, %arg0 : i32, i32
  }
  func.func @transform_1(%arg0: i32) -> (i32, i32) {
    %c0_i32 = arith.constant 0 : i32
    %c0_i32_0 = arith.constant 0 : i32
    return %arg0, %c0_i32 : i32, i32
  }
}

module attributes {stable_mosaic.version = 14 : i64} {
  func.func @geo_pack(%arg0: i32, %arg1: memref<8x16384xf32, #tpu.memory_space<vmem>>, %arg2: memref<1024x128xf32, #tpu.memory_space<vmem>>) attributes {dimension_semantics = [#tpu.dimension_semantics<arbitrary>], iteration_bounds = array<i64: 7>, scalar_prefetch = 0 : i64, scratch_operands = 0 : i64, tpu.core_type = #tpu.core_type<tc>, window_params = [{transform_indices = @transform_0, window_bounds = array<i64: 8, 16384>}, {transform_indices = @transform_1, window_bounds = array<i64: 1024, 128>}]} {
    %get3A = arith.constant 0 : index
    %get3A_0 = arith.constant 0 : index
    %get3A_1 = vector.load %arg1[%get3A, %get3A_0] : memref<8x16384xf32, #tpu.memory_space<vmem>>, vector<8x16384xf32>
    %transpose3A = tpu.transpose %get3A_1, [1, 0] : vector<8x16384xf32> -> vector<16384x8xf32>
    %slice3A = vector.extract_strided_slice %transpose3A {offsets = [0, 0], sizes = [1024, 8], strides = [1, 1]} : vector<16384x8xf32> to vector<1024x8xf32>
    %swap3A = arith.constant 0 : index
    %swap3A_2 = arith.constant 0 : index
    %swap3A_3 = vector.load %arg2[%swap3A, %swap3A_2] : memref<1024x128xf32, #tpu.memory_space<vmem>>, vector<1024x8xf32>
    tpu.vector_store %arg2[%swap3A, %swap3A_2], %slice3A {strides = array<i32>} : memref<1024x128xf32, #tpu.memory_space<vmem>>, vector<1024x8xf32>,
    %slice3A_4 = vector.extract_strided_slice %transpose3A {offsets = [1024, 0], sizes = [1024, 8], strides = [1, 1]} : vector<16384x8xf32> to vector<1024x8xf32>
    %swap3A_5 = arith.constant 0 : index
    %swap3A_6 = arith.constant 8 : index
    %swap3A_7 = vector.load %arg2[%swap3A_5, %swap3A_6] : memref<1024x128xf32, #tpu.memory_space<vmem>>, vector<1024x8xf32>
    tpu.vector_store %arg2[%swap3A_5, %swap3A_6], %slice3A_4 {strides = array<i32>} : memref<1024x128xf32, #tpu.memory_space<vmem>>, vector<1024x8xf32>,
    %slice3A_8 = vector.extract_strided_slice %transpose3A {offsets = [2048, 0], sizes = [1024, 8], strides = [1, 1]} : vector<16384x8xf32> to vector<1024x8xf32>
    %swap3A_9 = arith.constant 0 : index
    %swap3A_10 = arith.constant 16 : index
    %swap3A_11 = vector.load %arg2[%swap3A_9, %swap3A_10] : memref<1024x128xf32, #tpu.memory_space<vmem>>, vector<1024x8xf32>
    tpu.vector_store %arg2[%swap3A_9, %swap3A_10], %slice3A_8 {strides = array<i32>} : memref<1024x128xf32, #tpu.memory_space<vmem>>, vector<1024x8xf32>,
    %slice3A_12 = vector.extract_strided_slice %transpose3A {offsets = [3072, 0], sizes = [1024, 8], strides = [1, 1]} : vector<16384x8xf32> to vector<1024x8xf32>
    %swap3A_13 = arith.constant 0 : index
    %swap3A_14 = arith.constant 24 : index
    %swap3A_15 = vector.load %arg2[%swap3A_13, %swap3A_14] : memref<1024x128xf32, #tpu.memory_space<vmem>>, vector<1024x8xf32>
    tpu.vector_store %arg2[%swap3A_13, %swap3A_14], %slice3A_12 {strides = array<i32>} : memref<1024x128xf32, #tpu.memory_space<vmem>>, vector<1024x8xf32>,
    %slice3A_16 = vector.extract_strided_slice %transpose3A {offsets = [4096, 0], sizes = [1024, 8], strides = [1, 1]} : vector<16384x8xf32> to vector<1024x8xf32>
    %swap3A_17 = arith.constant 0 : index
    %swap3A_18 = arith.constant 32 : index
    %swap3A_19 = vector.load %arg2[%swap3A_17, %swap3A_18] : memref<1024x128xf32, #tpu.memory_space<vmem>>, vector<1024x8xf32>
    tpu.vector_store %arg2[%swap3A_17, %swap3A_18], %slice3A_16 {strides = array<i32>} : memref<1024x128xf32, #tpu.memory_space<vmem>>, vector<1024x8xf32>,
    %slice3A_20 = vector.extract_strided_slice %transpose3A {offsets = [5120, 0], sizes = [1024, 8], strides = [1, 1]} : vector<16384x8xf32> to vector<1024x8xf32>
    %swap3A_21 = arith.constant 0 : index
    %swap3A_22 = arith.constant 40 : index
    %swap3A_23 = vector.load %arg2[%swap3A_21, %swap3A_22] : memref<1024x128xf32, #tpu.memory_space<vmem>>, vector<1024x8xf32>
    tpu.vector_store %arg2[%swap3A_21, %swap3A_22], %slice3A_20 {strides = array<i32>} : memref<1024x128xf32, #tpu.memory_space<vmem>>, vector<1024x8xf32>,
    %slice3A_24 = vector.extract_strided_slice %transpose3A {offsets = [6144, 0], sizes = [1024, 8], strides = [1, 1]} : vector<16384x8xf32> to vector<1024x8xf32>
    %swap3A_25 = arith.constant 0 : index
    %swap3A_26 = arith.constant 48 : index
    %swap3A_27 = vector.load %arg2[%swap3A_25, %swap3A_26] : memref<1024x128xf32, #tpu.memory_space<vmem>>, vector<1024x8xf32>
    tpu.vector_store %arg2[%swap3A_25, %swap3A_26], %slice3A_24 {strides = array<i32>} : memref<1024x128xf32, #tpu.memory_space<vmem>>, vector<1024x8xf32>,
    %slice3A_28 = vector.extract_strided_slice %transpose3A {offsets = [7168, 0], sizes = [1024, 8], strides = [1, 1]} : vector<16384x8xf32> to vector<1024x8xf32>
    %swap3A_29 = arith.constant 0 : index
    %swap3A_30 = arith.constant 56 : index
    %swap3A_31 = vector.load %arg2[%swap3A_29, %swap3A_30] : memref<1024x128xf32, #tpu.memory_space<vmem>>, vector<1024x8xf32>
    tpu.vector_store %arg2[%swap3A_29, %swap3A_30], %slice3A_28 {strides = array<i32>} : memref<1024x128xf32, #tpu.memory_space<vmem>>, vector<1024x8xf32>,
    %slice3A_32 = vector.extract_strided_slice %transpose3A {offsets = [8192, 0], sizes = [1024, 8], strides = [1, 1]} : vector<16384x8xf32> to vector<1024x8xf32>
    %swap3A_33 = arith.constant 0 : index
    %swap3A_34 = arith.constant 64 : index
    %swap3A_35 = vector.load %arg2[%swap3A_33, %swap3A_34] : memref<1024x128xf32, #tpu.memory_space<vmem>>, vector<1024x8xf32>
    tpu.vector_store %arg2[%swap3A_33, %swap3A_34], %slice3A_32 {strides = array<i32>} : memref<1024x128xf32, #tpu.memory_space<vmem>>, vector<1024x8xf32>,
    %slice3A_36 = vector.extract_strided_slice %transpose3A {offsets = [9216, 0], sizes = [1024, 8], strides = [1, 1]} : vector<16384x8xf32> to vector<1024x8xf32>
    %swap3A_37 = arith.constant 0 : index
    %swap3A_38 = arith.constant 72 : index
    %swap3A_39 = vector.load %arg2[%swap3A_37, %swap3A_38] : memref<1024x128xf32, #tpu.memory_space<vmem>>, vector<1024x8xf32>
    tpu.vector_store %arg2[%swap3A_37, %swap3A_38], %slice3A_36 {strides = array<i32>} : memref<1024x128xf32, #tpu.memory_space<vmem>>, vector<1024x8xf32>,
    %slice3A_40 = vector.extract_strided_slice %transpose3A {offsets = [10240, 0], sizes = [1024, 8], strides = [1, 1]} : vector<16384x8xf32> to vector<1024x8xf32>
    %swap3A_41 = arith.constant 0 : index
    %swap3A_42 = arith.constant 80 : index
    %swap3A_43 = vector.load %arg2[%swap3A_41, %swap3A_42] : memref<1024x128xf32, #tpu.memory_space<vmem>>, vector<1024x8xf32>
    tpu.vector_store %arg2[%swap3A_41, %swap3A_42], %slice3A_40 {strides = array<i32>} : memref<1024x128xf32, #tpu.memory_space<vmem>>, vector<1024x8xf32>,
    %slice3A_44 = vector.extract_strided_slice %transpose3A {offsets = [11264, 0], sizes = [1024, 8], strides = [1, 1]} : vector<16384x8xf32> to vector<1024x8xf32>
    %swap3A_45 = arith.constant 0 : index
    %swap3A_46 = arith.constant 88 : index
    %swap3A_47 = vector.load %arg2[%swap3A_45, %swap3A_46] : memref<1024x128xf32, #tpu.memory_space<vmem>>, vector<1024x8xf32>
    tpu.vector_store %arg2[%swap3A_45, %swap3A_46], %slice3A_44 {strides = array<i32>} : memref<1024x128xf32, #tpu.memory_space<vmem>>, vector<1024x8xf32>,
    %slice3A_48 = vector.extract_strided_slice %transpose3A {offsets = [12288, 0], sizes = [1024, 8], strides = [1, 1]} : vector<16384x8xf32> to vector<1024x8xf32>
    %swap3A_49 = arith.constant 0 : index
    %swap3A_50 = arith.constant 96 : index
    %swap3A_51 = vector.load %arg2[%swap3A_49, %swap3A_50] : memref<1024x128xf32, #tpu.memory_space<vmem>>, vector<1024x8xf32>
    tpu.vector_store %arg2[%swap3A_49, %swap3A_50], %slice3A_48 {strides = array<i32>} : memref<1024x128xf32, #tpu.memory_space<vmem>>, vector<1024x8xf32>,
    %slice3A_52 = vector.extract_strided_slice %transpose3A {offsets = [13312, 0], sizes = [1024, 8], strides = [1, 1]} : vector<16384x8xf32> to vector<1024x8xf32>
    %swap3A_53 = arith.constant 0 : index
    %swap3A_54 = arith.constant 104 : index
    %swap3A_55 = vector.load %arg2[%swap3A_53, %swap3A_54] : memref<1024x128xf32, #tpu.memory_space<vmem>>, vector<1024x8xf32>
    tpu.vector_store %arg2[%swap3A_53, %swap3A_54], %slice3A_52 {strides = array<i32>} : memref<1024x128xf32, #tpu.memory_space<vmem>>, vector<1024x8xf32>,
    %slice3A_56 = vector.extract_strided_slice %transpose3A {offsets = [14336, 0], sizes = [1024, 8], strides = [1, 1]} : vector<16384x8xf32> to vector<1024x8xf32>
    %swap3A_57 = arith.constant 0 : index
    %swap3A_58 = arith.constant 112 : index
    %swap3A_59 = vector.load %arg2[%swap3A_57, %swap3A_58] : memref<1024x128xf32, #tpu.memory_space<vmem>>, vector<1024x8xf32>
    tpu.vector_store %arg2[%swap3A_57, %swap3A_58], %slice3A_56 {strides = array<i32>} : memref<1024x128xf32, #tpu.memory_space<vmem>>, vector<1024x8xf32>,
    %slice3A_60 = vector.extract_strided_slice %transpose3A {offsets = [15360, 0], sizes = [1024, 8], strides = [1, 1]} : vector<16384x8xf32> to vector<1024x8xf32>
    %swap3A_61 = arith.constant 0 : index
    %swap3A_62 = arith.constant 120 : index
    %swap3A_63 = vector.load %arg2[%swap3A_61, %swap3A_62] : memref<1024x128xf32, #tpu.memory_space<vmem>>, vector<1024x8xf32>
    tpu.vector_store %arg2[%swap3A_61, %swap3A_62], %slice3A_60 {strides = array<i32>} : memref<1024x128xf32, #tpu.memory_space<vmem>>, vector<1024x8xf32>,
    return
  }
  func.func @transform_0(%arg0: i32) -> (i32, i32) {
    %c0_i32 = arith.constant 0 : i32
    %c0_i32_0 = arith.constant 0 : i32
    return %c0_i32, %arg0 : i32, i32
  }
  func.func @transform_1(%arg0: i32) -> (i32, i32) {
    %c0_i32 = arith.constant 0 : i32
    %c0_i32_0 = arith.constant 0 : i32
    return %arg0, %c0_i32 : i32, i32
  }
}

module attributes {stable_mosaic.version = 14 : i64} {
  func.func @user_tower_mlp(%arg0: i32, %arg1: memref<4096x128xf32, #tpu.memory_space<vmem>>, %arg2: memref<4096x128xf32, #tpu.memory_space<vmem>>, %arg3: memref<4096x4xi32, #tpu.memory_space<vmem>>, %arg4: memref<4096x64xf32, #tpu.memory_space<vmem>>, %arg5: memref<16x4xf32, #tpu.memory_space<vmem>>, %arg6: memref<16x4xf32, #tpu.memory_space<vmem>>, %arg7: memref<112x256xf32, #tpu.memory_space<vmem>>, %arg8: memref<1x256xf32, #tpu.memory_space<vmem>>, %arg9: memref<256x128xf32, #tpu.memory_space<vmem>>, %arg10: memref<1x128xf32, #tpu.memory_space<vmem>>, %arg11: memref<128x64xf32, #tpu.memory_space<vmem>>, %arg12: memref<1x64xf32, #tpu.memory_space<vmem>>, %arg13: memref<4096x64xf32, #tpu.memory_space<vmem>>) attributes {dimension_semantics = [#tpu.dimension_semantics<arbitrary>], iteration_bounds = array<i64: 4>, scalar_prefetch = 0 : i64, scratch_operands = 0 : i64, tpu.core_type = #tpu.core_type<tc>, window_params = [{transform_indices = @transform_0, window_bounds = array<i64: 4096, 128>}, {transform_indices = @transform_1, window_bounds = array<i64: 4096, 128>}, {transform_indices = @transform_2, window_bounds = array<i64: 4096, 4>}, {transform_indices = @transform_3, window_bounds = array<i64: 4096, 64>}, {pipeline_mode = #tpu.pipeline_mode<synchronous>, transform_indices = @transform_4, window_bounds = array<i64: 16, 4>}, {pipeline_mode = #tpu.pipeline_mode<synchronous>, transform_indices = @transform_5, window_bounds = array<i64: 16, 4>}, {pipeline_mode = #tpu.pipeline_mode<synchronous>, transform_indices = @transform_6, window_bounds = array<i64: 112, 256>}, {pipeline_mode = #tpu.pipeline_mode<synchronous>, transform_indices = @transform_7, window_bounds = array<i64: 1, 256>}, {pipeline_mode = #tpu.pipeline_mode<synchronous>, transform_indices = @transform_8, window_bounds = array<i64: 256, 128>}, {pipeline_mode = #tpu.pipeline_mode<synchronous>, transform_indices = @transform_9, window_bounds = array<i64: 1, 128>}, {pipeline_mode = #tpu.pipeline_mode<synchronous>, transform_indices = @transform_10, window_bounds = array<i64: 128, 64>}, {pipeline_mode = #tpu.pipeline_mode<synchronous>, transform_indices = @transform_11, window_bounds = array<i64: 1, 64>}, {transform_indices = @transform_12, window_bounds = array<i64: 4096, 64>}]} {
    %get3A = arith.constant 0 : index
    %get3A_0 = arith.constant 0 : index
    %get3A_1 = vector.load %arg3[%get3A, %get3A_0] : memref<4096x4xi32, #tpu.memory_space<vmem>>, vector<4096x1xi32>
    %get3A_2 = arith.constant 0 : index
    %get3A_3 = arith.constant 1 : index
    %get3A_4 = vector.load %arg3[%get3A_2, %get3A_3] : memref<4096x4xi32, #tpu.memory_space<vmem>>, vector<4096x1xi32>
    %iota3A = tpu.iota {dimensions = array<i32: 1>} : vector<4096x128xi32>
    %shift_right_arithmetic3A = arith.constant 5 : i32
    %shift_right_arithmetic3A_5 = vector.broadcast %shift_right_arithmetic3A : i32 to vector<4096x128xi32>
    %shift_right_arithmetic3A_6 = arith.shrsi %iota3A, %shift_right_arithmetic3A_5 : vector<4096x128xi32>
    %shift_right_arithmetic3A_7 = arith.constant 12 : i32
    %shift_right_arithmetic3A_8 = vector.broadcast %shift_right_arithmetic3A_7 : i32 to vector<4096x1xi32>
    %shift_right_arithmetic3A_9 = arith.shrsi %get3A_1, %shift_right_arithmetic3A_8 : vector<4096x1xi32>
    %and3A = arith.constant 3 : i32
    %and3A_10 = vector.broadcast %and3A : i32 to vector<4096x1xi32>
    %and3A_11 = arith.andi %shift_right_arithmetic3A_9, %and3A_10 : vector<4096x1xi32>
    %eq3A = vector.broadcast %and3A_11 : vector<4096x1xi32> to vector<4096x128xi32>
    %eq3A_12 = arith.cmpi eq, %shift_right_arithmetic3A_6, %eq3A : vector<4096x128xi32>
    %convert_element_type3A = arith.extui %eq3A_12 : vector<4096x128xi1> to vector<4096x128xi32>
    %convert_element_type3A_13 = arith.sitofp %convert_element_type3A : vector<4096x128xi32> to vector<4096x128xf32>
    %shift_right_arithmetic3A_14 = arith.constant 3 : i32
    %shift_right_arithmetic3A_15 = vector.broadcast %shift_right_arithmetic3A_14 : i32 to vector<4096x128xi32>
    %shift_right_arithmetic3A_16 = arith.shrsi %iota3A, %shift_right_arithmetic3A_15 : vector<4096x128xi32>
    %shift_right_arithmetic3A_17 = arith.constant 10 : i32
    %shift_right_arithmetic3A_18 = vector.broadcast %shift_right_arithmetic3A_17 : i32 to vector<4096x1xi32>
    %shift_right_arithmetic3A_19 = arith.shrsi %get3A_4, %shift_right_arithmetic3A_18 : vector<4096x1xi32>
    %and3A_20 = arith.constant 15 : i32
    %and3A_21 = vector.broadcast %and3A_20 : i32 to vector<4096x1xi32>
    %and3A_22 = arith.andi %shift_right_arithmetic3A_19, %and3A_21 : vector<4096x1xi32>
    %eq3A_23 = vector.broadcast %and3A_22 : vector<4096x1xi32> to vector<4096x128xi32>
    %eq3A_24 = arith.cmpi eq, %shift_right_arithmetic3A_16, %eq3A_23 : vector<4096x128xi32>
    %convert_element_type3A_25 = arith.extui %eq3A_24 : vector<4096x128xi1> to vector<4096x128xi32>
    %convert_element_type3A_26 = arith.sitofp %convert_element_type3A_25 : vector<4096x128xi32> to vector<4096x128xf32>
    %iota3A_27 = tpu.iota {dimensions = array<i32: 0>} : vector<128x32xi32>
    %iota3A_28 = tpu.iota {dimensions = array<i32: 1>} : vector<128x32xi32>
    %and3A_29 = arith.constant 31 : i32
    %and3A_30 = vector.broadcast %and3A_29 : i32 to vector<128x32xi32>
    %and3A_31 = arith.andi %iota3A_27, %and3A_30 : vector<128x32xi32>
    %eq3A_32 = arith.cmpi eq, %and3A_31, %iota3A_28 : vector<128x32xi32>
    %convert_element_type3A_33 = arith.extui %eq3A_32 : vector<128x32xi1> to vector<128x32xi32>
    %convert_element_type3A_34 = arith.sitofp %convert_element_type3A_33 : vector<128x32xi32> to vector<128x32xf32>
    %iota3A_35 = tpu.iota {dimensions = array<i32: 0>} : vector<128x8xi32>
    %iota3A_36 = tpu.iota {dimensions = array<i32: 1>} : vector<128x8xi32>
    %and3A_37 = arith.constant 7 : i32
    %and3A_38 = vector.broadcast %and3A_37 : i32 to vector<128x8xi32>
    %and3A_39 = arith.andi %iota3A_35, %and3A_38 : vector<128x8xi32>
    %eq3A_40 = arith.cmpi eq, %and3A_39, %iota3A_36 : vector<128x8xi32>
    %convert_element_type3A_41 = arith.extui %eq3A_40 : vector<128x8xi1> to vector<128x8xi32>
    %convert_element_type3A_42 = arith.sitofp %convert_element_type3A_41 : vector<128x8xi32> to vector<128x8xf32>
    %get3A_43 = arith.constant 0 : index
    %get3A_44 = arith.constant 0 : index
    %get3A_45 = vector.load %arg1[%get3A_43, %get3A_44] : memref<4096x128xf32, #tpu.memory_space<vmem>>, vector<4096x128xf32>
    %mul3A = arith.mulf %get3A_45, %convert_element_type3A_13 : vector<4096x128xf32>
    %dot_general3A = arith.constant dense<0.000000e+00> : vector<4096x32xf32>
    %dot_general3A_46 = tpu.matmul %mul3A, %convert_element_type3A_34, %dot_general3A {dimension_numbers = #tpu.dot_dimension_numbers<[1], [0], [0], [1], [0, 0, 1, 1], [], []>, transpose_lhs_hint = false} : vector<4096x128xf32>, vector<128x32xf32>, vector<4096x32xf32> -> vector<4096x32xf32>
    %get3A_47 = arith.constant 0 : index
    %get3A_48 = arith.constant 0 : index
    %get3A_49 = vector.load %arg2[%get3A_47, %get3A_48] : memref<4096x128xf32, #tpu.memory_space<vmem>>, vector<4096x128xf32>
    %mul3A_50 = arith.mulf %get3A_49, %convert_element_type3A_26 : vector<4096x128xf32>
    %dot_general3A_51 = arith.constant dense<0.000000e+00> : vector<4096x8xf32>
    %dot_general3A_52 = tpu.matmul %mul3A_50, %convert_element_type3A_42, %dot_general3A_51 {dimension_numbers = #tpu.dot_dimension_numbers<[1], [0], [0], [1], [0, 0, 1, 1], [], []>, transpose_lhs_hint = false} : vector<4096x128xf32>, vector<128x8xf32>, vector<4096x8xf32> -> vector<4096x8xf32>
    %get3A_53 = arith.constant 0 : index
    %get3A_54 = arith.constant 2 : index
    %get3A_55 = vector.load %arg3[%get3A_53, %get3A_54] : memref<4096x4xi32, #tpu.memory_space<vmem>>, vector<4096x1xi32>
    %get3A_56 = arith.constant 0 : index
    %get3A_57 = arith.constant 3 : index
    %get3A_58 = vector.load %arg3[%get3A_56, %get3A_57] : memref<4096x4xi32, #tpu.memory_space<vmem>>, vector<4096x1xi32>
    %iota3A_59 = tpu.iota {dimensions = array<i32: 1>} : vector<4096x16xi32>
    %eq3A_60 = vector.broadcast %get3A_55 : vector<4096x1xi32> to vector<4096x16xi32>
    %eq3A_61 = arith.cmpi eq, %iota3A_59, %eq3A_60 : vector<4096x16xi32>
    %convert_element_type3A_62 = arith.extui %eq3A_61 : vector<4096x16xi1> to vector<4096x16xi32>
    %convert_element_type3A_63 = arith.sitofp %convert_element_type3A_62 : vector<4096x16xi32> to vector<4096x16xf32>
    %eq3A_64 = vector.broadcast %get3A_58 : vector<4096x1xi32> to vector<4096x16xi32>
    %eq3A_65 = arith.cmpi eq, %iota3A_59, %eq3A_64 : vector<4096x16xi32>
    %convert_element_type3A_66 = arith.extui %eq3A_65 : vector<4096x16xi1> to vector<4096x16xi32>
    %convert_element_type3A_67 = arith.sitofp %convert_element_type3A_66 : vector<4096x16xi32> to vector<4096x16xf32>
    %get3A_68 = arith.constant 0 : index
    %get3A_69 = arith.constant 0 : index
    %get3A_70 = vector.load %arg5[%get3A_68, %get3A_69] : memref<16x4xf32, #tpu.memory_space<vmem>>, vector<16x4xf32>
    %dot_general3A_71 = arith.constant dense<0.000000e+00> : vector<4096x4xf32>
    %dot_general3A_72 = tpu.matmul %convert_element_type3A_63, %get3A_70, %dot_general3A_71 {dimension_numbers = #tpu.dot_dimension_numbers<[1], [0], [0], [1], [0, 0, 1, 1], [], []>, transpose_lhs_hint = false} : vector<4096x16xf32>, vector<16x4xf32>, vector<4096x4xf32> -> vector<4096x4xf32>
    %get3A_73 = arith.constant 0 : index
    %get3A_74 = arith.constant 0 : index
    %get3A_75 = vector.load %arg6[%get3A_73, %get3A_74] : memref<16x4xf32, #tpu.memory_space<vmem>>, vector<16x4xf32>
    %dot_general3A_76 = arith.constant dense<0.000000e+00> : vector<4096x4xf32>
    %dot_general3A_77 = tpu.matmul %convert_element_type3A_67, %get3A_75, %dot_general3A_76 {dimension_numbers = #tpu.dot_dimension_numbers<[1], [0], [0], [1], [0, 0, 1, 1], [], []>, transpose_lhs_hint = false} : vector<4096x16xf32>, vector<16x4xf32>, vector<4096x4xf32> -> vector<4096x4xf32>
    %get3A_78 = arith.constant 0 : index
    %get3A_79 = arith.constant 0 : index
    %get3A_80 = vector.load %arg4[%get3A_78, %get3A_79] : memref<4096x64xf32, #tpu.memory_space<vmem>>, vector<4096x64xf32>
    %concatenate3A = tpu.concatenate %dot_general3A_46, %dot_general3A_52, %dot_general3A_72, %dot_general3A_77, %get3A_80 in 1 : vector<4096x32xf32>, vector<4096x8xf32>, vector<4096x4xf32>, vector<4096x4xf32>, vector<4096x64xf32> -> vector<4096x112xf32>
    %get3A_81 = arith.constant 0 : index
    %get3A_82 = arith.constant 0 : index
    %get3A_83 = vector.load %arg7[%get3A_81, %get3A_82] : memref<112x256xf32, #tpu.memory_space<vmem>>, vector<112x256xf32>
    %dot_general3A_84 = arith.constant dense<0.000000e+00> : vector<4096x256xf32>
    %dot_general3A_85 = tpu.matmul %concatenate3A, %get3A_83, %dot_general3A_84 {dimension_numbers = #tpu.dot_dimension_numbers<[1], [0], [0], [1], [0, 0, 1, 1], [], []>, transpose_lhs_hint = false} : vector<4096x112xf32>, vector<112x256xf32>, vector<4096x256xf32> -> vector<4096x256xf32>
    %get3A_86 = arith.constant 0 : index
    %get3A_87 = arith.constant 0 : index
    %get3A_88 = vector.load %arg8[%get3A_86, %get3A_87] : memref<1x256xf32, #tpu.memory_space<vmem>>, vector<1x256xf32>
    %add3A = vector.broadcast %get3A_88 : vector<1x256xf32> to vector<4096x256xf32>
    %add3A_89 = arith.addf %dot_general3A_85, %add3A : vector<4096x256xf32>
    %max3A = arith.constant 0.000000e+00 : f32
    %max3A_90 = vector.broadcast %max3A : f32 to vector<4096x256xf32>
    %max3A_91 = arith.maximumf %add3A_89, %max3A_90 : vector<4096x256xf32>
    %get3A_92 = arith.constant 0 : index
    %get3A_93 = arith.constant 0 : index
    %get3A_94 = vector.load %arg9[%get3A_92, %get3A_93] : memref<256x128xf32, #tpu.memory_space<vmem>>, vector<256x128xf32>
    %dot_general3A_95 = arith.constant dense<0.000000e+00> : vector<4096x128xf32>
    %dot_general3A_96 = tpu.matmul %max3A_91, %get3A_94, %dot_general3A_95 {dimension_numbers = #tpu.dot_dimension_numbers<[1], [0], [0], [1], [0, 0, 1, 1], [], []>, transpose_lhs_hint = false} : vector<4096x256xf32>, vector<256x128xf32>, vector<4096x128xf32> -> vector<4096x128xf32>
    %get3A_97 = arith.constant 0 : index
    %get3A_98 = arith.constant 0 : index
    %get3A_99 = vector.load %arg10[%get3A_97, %get3A_98] : memref<1x128xf32, #tpu.memory_space<vmem>>, vector<1x128xf32>
    %add3A_100 = vector.broadcast %get3A_99 : vector<1x128xf32> to vector<4096x128xf32>
    %add3A_101 = arith.addf %dot_general3A_96, %add3A_100 : vector<4096x128xf32>
    %max3A_102 = arith.constant 0.000000e+00 : f32
    %max3A_103 = vector.broadcast %max3A_102 : f32 to vector<4096x128xf32>
    %max3A_104 = arith.maximumf %add3A_101, %max3A_103 : vector<4096x128xf32>
    %get3A_105 = arith.constant 0 : index
    %get3A_106 = arith.constant 0 : index
    %get3A_107 = vector.load %arg11[%get3A_105, %get3A_106] : memref<128x64xf32, #tpu.memory_space<vmem>>, vector<128x64xf32>
    %dot_general3A_108 = arith.constant dense<0.000000e+00> : vector<4096x64xf32>
    %dot_general3A_109 = tpu.matmul %max3A_104, %get3A_107, %dot_general3A_108 {dimension_numbers = #tpu.dot_dimension_numbers<[1], [0], [0], [1], [0, 0, 1, 1], [], []>, transpose_lhs_hint = false} : vector<4096x128xf32>, vector<128x64xf32>, vector<4096x64xf32> -> vector<4096x64xf32>
    %get3A_110 = arith.constant 0 : index
    %get3A_111 = arith.constant 0 : index
    %get3A_112 = vector.load %arg12[%get3A_110, %get3A_111] : memref<1x64xf32, #tpu.memory_space<vmem>>, vector<1x64xf32>
    %add3A_113 = vector.broadcast %get3A_112 : vector<1x64xf32> to vector<4096x64xf32>
    %add3A_114 = arith.addf %dot_general3A_109, %add3A_113 : vector<4096x64xf32>
    %mul3A_115 = arith.mulf %add3A_114, %add3A_114 : vector<4096x64xf32>
    %reduce_sum3A = arith.constant dense<0.000000e+00> : vector<4096xf32>
    %reduce_sum3A_116 = vector.multi_reduction <add>, %mul3A_115, %reduce_sum3A [1] : vector<4096x64xf32> to vector<4096xf32>
    %broadcast_in_dim3A = vector.shape_cast %reduce_sum3A_116 : vector<4096xf32> to vector<4096x1xf32>
    %max3A_117 = arith.constant 1.000000e-24 : f32
    %max3A_118 = vector.broadcast %max3A_117 : f32 to vector<4096x1xf32>
    %max3A_119 = arith.maximumf %broadcast_in_dim3A, %max3A_118 : vector<4096x1xf32>
    %rsqrt3A = math.rsqrt %max3A_119 : vector<4096x1xf32>
    %mul3A_120 = vector.broadcast %rsqrt3A : vector<4096x1xf32> to vector<4096x64xf32>
    %mul3A_121 = arith.mulf %add3A_114, %mul3A_120 : vector<4096x64xf32>
    %swap3A = arith.constant 0 : index
    %swap3A_122 = arith.constant 0 : index
    %swap3A_123 = vector.load %arg13[%swap3A, %swap3A_122] : memref<4096x64xf32, #tpu.memory_space<vmem>>, vector<4096x64xf32>
    tpu.vector_store %arg13[%swap3A, %swap3A_122], %mul3A_121 {strides = array<i32>} : memref<4096x64xf32, #tpu.memory_space<vmem>>, vector<4096x64xf32>,
    return
  }
  func.func @transform_0(%arg0: i32) -> (i32, i32) {
    %c0_i32 = arith.constant 0 : i32
    %c0_i32_0 = arith.constant 0 : i32
    return %arg0, %c0_i32 : i32, i32
  }
  func.func @transform_1(%arg0: i32) -> (i32, i32) {
    %c0_i32 = arith.constant 0 : i32
    %c0_i32_0 = arith.constant 0 : i32
    return %arg0, %c0_i32 : i32, i32
  }
  func.func @transform_2(%arg0: i32) -> (i32, i32) {
    %c0_i32 = arith.constant 0 : i32
    %c0_i32_0 = arith.constant 0 : i32
    return %arg0, %c0_i32 : i32, i32
  }
  func.func @transform_3(%arg0: i32) -> (i32, i32) {
    %c0_i32 = arith.constant 0 : i32
    %c0_i32_0 = arith.constant 0 : i32
    return %arg0, %c0_i32 : i32, i32
  }
  func.func @transform_4(%arg0: i32) -> (i32, i32) {
    %c0_i32 = arith.constant 0 : i32
    %c0_i32_0 = arith.constant 0 : i32
    %c0_i32_1 = arith.constant 0 : i32
    return %c0_i32, %c0_i32_0 : i32, i32
  }
  func.func @transform_5(%arg0: i32) -> (i32, i32) {
    %c0_i32 = arith.constant 0 : i32
    %c0_i32_0 = arith.constant 0 : i32
    %c0_i32_1 = arith.constant 0 : i32
    return %c0_i32, %c0_i32_0 : i32, i32
  }
  func.func @transform_6(%arg0: i32) -> (i32, i32) {
    %c0_i32 = arith.constant 0 : i32
    %c0_i32_0 = arith.constant 0 : i32
    %c0_i32_1 = arith.constant 0 : i32
    return %c0_i32, %c0_i32_0 : i32, i32
  }
  func.func @transform_7(%arg0: i32) -> (i32, i32) {
    %c0_i32 = arith.constant 0 : i32
    %c0_i32_0 = arith.constant 0 : i32
    %c0_i32_1 = arith.constant 0 : i32
    return %c0_i32, %c0_i32_0 : i32, i32
  }
  func.func @transform_8(%arg0: i32) -> (i32, i32) {
    %c0_i32 = arith.constant 0 : i32
    %c0_i32_0 = arith.constant 0 : i32
    %c0_i32_1 = arith.constant 0 : i32
    return %c0_i32, %c0_i32_0 : i32, i32
  }
  func.func @transform_9(%arg0: i32) -> (i32, i32) {
    %c0_i32 = arith.constant 0 : i32
    %c0_i32_0 = arith.constant 0 : i32
    %c0_i32_1 = arith.constant 0 : i32
    return %c0_i32, %c0_i32_0 : i32, i32
  }
  func.func @transform_10(%arg0: i32) -> (i32, i32) {
    %c0_i32 = arith.constant 0 : i32
    %c0_i32_0 = arith.constant 0 : i32
    %c0_i32_1 = arith.constant 0 : i32
    return %c0_i32, %c0_i32_0 : i32, i32
  }
  func.func @transform_11(%arg0: i32) -> (i32, i32) {
    %c0_i32 = arith.constant 0 : i32
    %c0_i32_0 = arith.constant 0 : i32
    %c0_i32_1 = arith.constant 0 : i32
    return %c0_i32, %c0_i32_0 : i32, i32
  }
  func.func @transform_12(%arg0: i32) -> (i32, i32) {
    %c0_i32 = arith.constant 0 : i32
    %c0_i32_0 = arith.constant 0 : i32
    return %arg0, %c0_i32 : i32, i32
  }
}

</mosaic_0001>

<sc_bundles>
// kernel: sc_user_geo_gather.3.cloned.1.call-start
scs
__scs_entry_jumppad:
0x0: {  	(pc) =	sbr.rel $0x88, $3  }
0x1: {  	(tag) =	ssettag $0x0;
	lr =	simm.s32 $0x1  }
0x2: {  	[smem:$0x3F92] =	sst lr;
	_ =	strace $0xD0000000  }
0x3: {  	_ = 	snop  }
0x4: {  	_ = 	snop  }
0x5: {  	_ = 	snop  }
0x6: {  	_ = 	snop  }
0x7: {  	_ = 	snop  }
__scs_overlays_trampoline_lowered:
0x8: {  	[smem:$0x3FA1] =	sst s0  }
0x9: {  	[smem:$0x3FA2] =	sst s1  }
0xa: {  	[smem:$0x3FA3] =	sst s2  }
0xb: {  	[smem:$0x3FA4] =	sst s3  }
0xc: {  	[smem:$0x3FA5] =	sst s4  }
0xd: {  	[smem:$0x3FA6] =	sst s5  }
0xe: {  	[smem:$0x3FA7] =	sst s6  }
0xf: {  	[smem:$0x3FA8] =	sst s7  }
0x10: {  	[smem:$0x3FA9] =	sst s8  }
0x11: {  	[smem:$0x3FAA] =	sst s9;
	s0 =	simm.s32 @!p0 $0x0  }
0x12: {  	s1 =	sld [smem:$0x3F90];
	s0 =	simm.s32 @p0 $0x1  }
0x13: {  	[smem:$0x3FAB] =	sst s0;
	s0 =	simm.s32 @!p1 $0x0  }
0x14: {  	s2 =	sld [smem:$0x3F8F];
	s0 =	simm.s32 @p1 $0x1  }
0x15: {  	[smem:$0x3FAC] =	sst s0;
	s0 =	simm.s32 @!p2 $0x0  }
0x16: {  	s3 =	sld [smem:$0x3FDB];
	s0 =	simm.s32 @p2 $0x1  }
0x17: {  	s4 =	simm.s32 $0x1BF5;
	[smem:$0x3FAE] =	sst s0  }
0x18: {  	s0 =	sld [smem:$0x3F91];
	_ =	swait.ge [sflag:s4], $0x0  }
0x19: {  	s7 =	sld [smem:$0x3F92]  }
0x1a: {  	s8 =	sadd.s32 $0xFFFFE003, lr  }
0x1b: {  	s9 =	sadd.s32 $0xFFFFFEF7, lr;
	s5 =	simm.s32 $0xFFFFFFFF;
	p2 =	slt.u32 s8, $0xFFFFF086  }
0x1c: {  	p1 =	slt.u32 s9, $0xF7A;
	s5 =	simm.s32 @!p2 $0x0  }
0x1d: {  	s5 =	simm.s32 @p1 $0x1;
	p0 =	seq.s32 s7, s2  }
0x1e: {  	s7 =	smul.u32 @!p0 $0xF7A, s2;
	p2 =	seq.s32 @!p0 s5, $0x0  }
0x1f: {  	s9 =	smul.u32 $0xF7A, s1;
	s8 =	simm.s32 @!p0 $0x1BF5;
	p2 =	por !p2, p0  }
0x20: {  	[sflag:s8] =	ssyncset.s32 @!p0 $0xFFFFF086;
	s6 =	sadd.s32 @!p0 s3, s7;
	s7 =	simm.s32 @!p0 $0x108  }
0x21: {  	s3 =	sadd.s32 s3, s9;
	s6 =	sadd.s32 @!p0 $0x88, s6;
	s7 =	simm.s32 @p2 $0x1082  }
0x22: {  	[simem:s7], [sflag:s8] =	dma.local @!p0 [hbm:s6], $0xF7A  }
0x23: {  	s9 =	sor.u32 $0xD0000000, s2;
	s6 =	simm.s32 $0x108;
	_ =	swait.ge @!p0 [sflag:s8], $0x0  }
0x24: {  	s3 =	sadd.s32 $0x88, s3;
	s6 =	simm.s32 @!p1 $0x1082;
	[sflag:s4] =	ssyncset.s32 $0xFFFFF086  }
0x25: {  	[simem:s6], [sflag:s4] =	dma.local [hbm:s3], $0xF7A  }
0x26: {  	[smem:$0x3F92] =	sst s1;
	(tag) =	ssettag s2;
	_ =	strace s9  }
0x27: {  	s1 =	sld [smem:$0x3FA2]  }
0x28: {  	s2 =	sld [smem:$0x3FA3]  }
0x29: {  	s4 =	sld [smem:$0x3FA5]  }
0x2a: {  	p0 =	seq.s32 s5, $0x0;
	s5 =	sld [smem:$0x3FA6]  }
0x2b: {  	s6 =	sld [smem:$0x3FA7]  }
0x2c: {  	s7 =	sld [smem:$0x3FA8]  }
0x2d: {  	s3 =	simm.s32 $0x108;
	s8 =	sld [smem:$0x3FA9]  }
0x2e: {  	s3 =	simm.s32 @!p0 $0x1082;
	s9 =	sld [smem:$0x3FAA]  }
0x2f: {  	lr =	sadd.s32 s0, s3;
	s0 =	sld [smem:$0x3FA1]  }
0x30: {  	s3 =	sld [smem:$0x3FA4]  }
0x31: {  	[smem:$0x3FAD] =	sst s10  }
0x32: {  	s10 =	sld [smem:$0x3FAB];
	_ =	sdelay $0x3  }
0x33: {  	p0 =	seq.s32 s10, $0x1;
	s10 =	sld [smem:$0x3FAD];
	_ =	sdelay $0x3  }
0x34: {  	[smem:$0x3FAD] =	sst s10  }
0x35: {  	s10 =	sld [smem:$0x3FAC];
	_ =	sdelay $0x3  }
0x36: {  	p1 =	seq.s32 s10, $0x1;
	s10 =	sld [smem:$0x3FAD];
	_ =	sdelay $0x3  }
0x37: {  	[smem:$0x3FAD] =	sst s10  }
0x38: {  	s10 =	sld [smem:$0x3FAE]  }
0x39: {  	_ = 	snop;
	(pc) =	sbr.ind lr, $3  }
0x3a: {  	_ = 	snop  }
0x3b: {  	_ = 	snop  }
0x3c: {  	p2 =	seq.s32 s10, $0x1;
	s10 =	sld [smem:$0x3FAD]  }
0x3d: {  	_ =	shalt  }
0x3e: {  	_ =	shalt  }
0x3f: {  	_ =	shalt  }
0x40: {  	_ =	shalt  }
0x41: {  	_ =	shalt  }
0x42: {  	_ =	shalt  }
0x43: {  	_ =	shalt  }
0x44: {  	_ =	shalt  }
0x45: {  	_ =	shalt  }
0x46: {  	_ =	shalt  }
0x47: {  	_ =	shalt  }
0x48: {  	_ =	shalt  }
0x49: {  	_ =	shalt  }
0x4a: {  	_ =	shalt  }
0x4b: {  	_ =	shalt  }
0x4c: {  	_ =	shalt  }
0x4d: {  	_ =	shalt  }
0x4e: {  	_ =	shalt  }
0x4f: {  	_ =	shalt  }
0x50: {  	_ =	shalt  }
0x51: {  	_ =	shalt  }
0x52: {  	_ =	shalt  }
0x53: {  	_ =	shalt  }
0x54: {  	_ =	shalt  }
0x55: {  	_ =	shalt  }
0x56: {  	_ =	shalt  }
0x57: {  	_ =	shalt  }
0x58: {  	_ =	shalt  }
0x59: {  	_ =	shalt  }
0x5a: {  	_ =	shalt  }
0x5b: {  	_ =	shalt  }
0x5c: {  	_ =	shalt  }
0x5d: {  	_ =	shalt  }
0x5e: {  	_ =	shalt  }
0x5f: {  	_ =	shalt  }
0x60: {  	_ =	shalt  }
0x61: {  	_ =	shalt  }
0x62: {  	_ =	shalt  }
0x63: {  	_ =	shalt  }
0x64: {  	_ =	shalt  }
0x65: {  	_ =	shalt  }
0x66: {  	_ =	shalt  }
0x67: {  	_ =	shalt  }
0x68: {  	_ =	shalt  }
0x69: {  	_ =	shalt  }
0x6a: {  	_ =	shalt  }
0x6b: {  	_ =	shalt  }
0x6c: {  	_ =	shalt  }
0x6d: {  	_ =	shalt  }
0x6e: {  	_ =	shalt  }
0x6f: {  	_ =	shalt  }
0x70: {  	_ =	shalt  }
0x71: {  	_ =	shalt  }
0x72: {  	_ =	shalt  }
0x73: {  	_ =	shalt  }
0x74: {  	_ =	shalt  }
0x75: {  	_ =	shalt  }
0x76: {  	_ =	shalt  }
0x77: {  	_ =	shalt  }
0x78: {  	_ =	shalt  }
0x79: {  	_ =	shalt  }
0x7a: {  	_ =	shalt  }
0x7b: {  	_ =	shalt  }
0x7c: {  	_ =	shalt  }
0x7d: {  	_ =	shalt  }
0x7e: {  	_ =	shalt  }
0x7f: {  	_ =	shalt  }
0x80: {  	_ =	shalt  }
0x81: {  	_ =	shalt  }
0x82: {  	_ =	shalt  }
0x83: {  	_ =	shalt  }
0x84: {  	_ =	shalt  }
0x85: {  	_ =	shalt  }
0x86: {  	_ =	shalt  }
0x87: {  	_ =	shalt  }
.Lfunc_end0:
.L_simem_size_0:
called_computation_lowered:
.L_overlay_start_0:
0x88: {  	s2 =	sld [smem:$0x3FD9]  }
0x89: {  	s3 =	sld [smem:$0x3FFE];
	_ =	sdelay $0x1  }
0x8a: {  	s1 =	srdreg.scid  }
0x8b: {  	s0 =	sand.u32 $0x1, s1  }
0x8c: {  	s17 =	sshll.u32 s0, $0xA;
	s2 =	sadd.s32 s3, s2  }
0x8d: {  	s2 =	sadd.s32 s2, s17  }
0x8e: {  	[smem:$0x3FB9] =	sst s2  }
0x8f: {  	_ = 	snop  }
0x90: {  	s2 =	sld [smem:$0x3FC9]  }
0x91: {  	s18 =	sld [smem:$0x3FC8]  }
0x92: {  	s4 =	sld [smem:$0x3FD0];
	(tm) =	ssettm $0x1  }
0x93: {  	s5 =	sld [smem:$0x3FFB];
	_ =	sdelay $0x3  }
0x94: {  	_ =	strace s5  }
0x95: {  	s5 =	sld [smem:$0x3FFC];
	_ =	sdelay $0x3  }
0x96: {  	_ =	strace s5  }
0x97: {  	s5 =	sld [smem:$0x3FFD];
	_ =	sdelay $0x3  }
0x98: {  	_ =	strace s5  }
0x99: {  	_ =	strace $0x8FFFFFFF  }
0x9a: {  	s19 =	sld [smem:$0x3FDB];
	_ =	sdelay $0x1  }
0x9b: {  	s6 =	simm.s32 $_scs_section_size  }
0x9c: {  	s7 =	simm.s32 $_size__tile_overlayer_lowered;
	s8 =	simm.s32 $_tile_overlayer_lowered  }
0x9d: {  	s22 =	simm.s32 $0x1BFF;
	s21 =	sshll.u32 s8, $0x1;
	s5 =	sadd.s32 s6, s19  }
0x9e: {  	s9 =	simm.s32 $0x0;
	s20 =	sshll.u32 s7, $0x1;
	s7 =	sadd.s32 s21, s5  }
0x9f: {  	[timem:s9], [sflag:s22] =	dma.local [hbm:s7], s20  }
0xa0: {  	_ =	swait.ge [sflag:s22], s20  }
0xa1: {  	s6 =	ssub.s32 $0x0, s20;
	[sflag:s22] =	ssyncset.done $0x0  }
0xa2: {  	[sflag:s22] =	ssyncadd.s32 s6;
	_ =	sdelay $0x1  }
0xa3: {  	s23 =	simm.s32 $0x1B8B  }
0xa4: {  	_ =	swait.ge [sflag:s23], $0x1  }
0xa5: {  	[sflag:s23] =	ssyncset.done $0x0  }
0xa6: {  	s25 =	simm.s32 $0x1B8E;
	s24 =	sld [smem:$0x3FFE];
	[sflag:s23] =	ssyncadd.s32 $0xFFFFFFFF  }
0xa7: {  	s26 =	simm.s32 $execute0_lowered;
	[smem:$0x3FD2] =	sst s25  }
0xa8: {  	s7 =	sshll.u32 s26, $0x1;
	_ =	strace $0x80000046;
	[dreg:$0x1] =	wrdreg $0xFFFFFFFF  }
0xa9: {  	s28 =	simm.s32 $_size_execute0_lowered;
	s5 =	sadd.s32 s5, s7;
	[dreg:$0x0] =	wrdreg $0x0  }
0xaa: {  	s7 =	sshll.u32 s28, $0x1;
	[dreg:$0x2] =	wrdreg s5  }
0xab: {  	[dreg:$0x3] =	wrdreg s7  }
0xac: {  	[dreg:$0x4] =	wrdreg $0xC0  }
0xad: {  	_ =	task [dreg:s9], $0x5FFFF  }
0xae: {  	[dreg:$0x1] =	wrdreg $0xFFFFFFFF  }
0xaf: {  	[dreg:$0x0] =	wrdreg $0x60  }
0xb0: {  	[dreg:$0x2] =	wrdreg s2  }
0xb1: {  	[dreg:$0x3] =	wrdreg s18  }
0xb2: {  	[dreg:$0x4] =	wrdreg s24  }
0xb3: {  	[dreg:$0x5] =	wrdreg s4  }
0xb4: {  	[dreg:$0x6] =	wrdreg $0x9  }
0xb5: {  	_ =	task.clear_ibuf [dreg:s9], $0x7FFFF;
	_ =	strace $0x90000046  }
0xb6: {  	s29 =	simm.s32 $0x9;
	_ =	strace $0x80000048  }
0xb7: {  	_ =	swait.ge [sflag:s29], $0x1  }
0xb8: {  	[sflag:s29] =	ssyncadd.s32 $0xFFFFFFFF  }
0xb9: {  	_ =	strace $0x90000048  }
0xba: {  	_ =	sfence  }
0xbb: {  	s30 =	sld [smem:$0x0];
	_ =	sdelay $0x2  }
0xbc: {  	s31 =	sshll.u32 s1, $0xD;
	s1 =	sshrl.u32 s1, $0x2  }
0xbd: {  	s3 =	sand.u32 $0x4000, s31;
	s1 =	sadd.s32 s1, s30  }
0xbe: {  	s0 =	sor.u32 s3, s0;
	s1 =	sshll.u32 s1, $0x11  }
0xbf: {  	s0 =	sor.u32 s1, s0  }
0xc0: {  	s0 =	sadd.s32 $0x8F2B, s0  }
0xc1: {  	[sflag:s0] =	ssyncadd.remote.s32 $0x1  }
0xc2: {  	_ =	sfence.sel $0xFFFF  }
0xc3: {  	[dreg:$0x0] =	wrdreg $0xFFFFFFFF;
	(pc) =	sbr.abs _section_cstart, $3  }
0xc4: {  	[dreg:$0x1] =	wrdreg $0xFFFFFFFF  }
0xc5: {  	_ =	task.clear_ibuf [dreg:s9], $0x2FFFF;
	_ =	strace $0x9FFFFFFF  }
0xc6: {  	(tm) =	ssettm $0x7FFFFFFF  }
0xc7: {  	_ =	shalt  }
tec
execute0_lowered:
.L_overlay_start_1:
0x0: {  	(tag) =	ssettag $0x1  }
0x1: {  	s5 =	rddreg [dreg:$0x0]  }
0x2: {  	s6 =	rddreg [dreg:$0x1]  }
0x3: {  	s7 =	rddreg [dreg:$0x2]  }
0x4: {  	s1 =	rddreg [dreg:$0x3]  }
0x5: {  	s0 =	rddreg [dreg:$0x4];
	s3 =	simm.s32 $0x0;
	s4 =	srdreg.scid  }
0x6: {  	s2 =	stileid.u32;
	s13 =	simm.s32 $0x400;
	s14 =	simm.s32 $0x4400  }
0x7: {  	s15 =	simm.s32 $0x100;
	s16 =	simm.s32 $0x8400;
	s17 =	simm.s32 $0x180  }
0x8: {  	s18 =	simm.s32 $0xC400;
	s19 =	simm.s32 $0x1;
	s20 =	simm.s32 $0x280  }
0x9: {  	s21 =	simm.s32 $0x300;
	s22 =	simm.s32 $0x380;
	[smem:$0x7FF] =	sst s3  }
0xa: {  	s8 =	sand.u32 $0x1, s4;
	s9 =	sshll.u32 s2, $0xE;
	s4 =	sadd.s32 $0x2800, s7  }
0xb: {  	s12 =	sshll.u32 s2, $0x7;
	_ =	strace $0x80000047;
	s10 =	sshll.u32 s8, $0xD  }
0xc: {  	s30 =	ssub.s32 $0x2, s8;
	s8 =	sshll.u32 s8, $0x6;
	s9 =	sor.u32 s10, s9  }
0xd: {  	s11 =	sshrl.u32 s30, $0x1;
	s31 =	sor.u32 s8, s12;
	s12 =	simm.s32 $0x80  }
0xe: {  	s9 =	sadd.s32 s9, s7;
	s10 =	ssub.s32 s30, s11;
	s5 =	sadd.s32 s5, s31  }
0xf: {  	s6 =	sadd.s32 s6, s31;
	s11 =	simm.s32 $0x200;
	s7 =	sadd.s32 $0x3E2800, s9  }
0x10: {  	s8 =	sadd.s32 $0x422800, s9;
	s9 =	smax.u32 s10, $0x1;
	s10 =	simm.s32 $0x2  }
.LBB2_1:
0x11: {  	[tilespmem:s3], [sflag:$0x2] =	stream.linear.gather [hbm4b:s5+s3], $0x200, $0x38;
	[tilespmem:$0x10400] =	vst v63  }
0x12: {  	_ =	swait.ge [sflag:s10], $0x200  }
0x13: {  	[sflag:s10] =	ssyncset.done $0x0  }
0x14: {  	[sflag:s10] =	ssyncadd.s32 $0xFFFFFE00  }
0x15: {  	[tilespmem:s11], [sflag:$0x2] =	stream.linear.gather [hbm4b:s6+s3], $0x200, $0x38;
	[tilespmem:$0x10400] =	vst v63  }
0x16: {  	_ =	swait.ge [sflag:s10], $0x200  }
0x17: {  	[sflag:s10] =	ssyncset.done $0x0  }
0x18: {  	[sflag:s10] =	ssyncadd.s32 $0xFFFFFE00  }
0x19: {  	v0 =	vld [tilespmem:$0x0]  }
0x1a: {  	v1 =	vld [tilespmem:$0x200]  }
0x1b: {  	v2 =	vld [tilespmem:$0x10]  }
0x1c: {  	v3 =	vld [tilespmem:$0x210]  }
0x1d: {  	v5 =	vld [tilespmem:$0x20]  }
0x1e: {  	v7 =	vld [tilespmem:$0x220]  }
0x1f: {  	v41 =	vld [tilespmem:$0x30]  }
0x20: {  	v9 =	vld [tilespmem:$0x230]  }
0x21: {  	v10 =	vld [tilespmem:$0x40]  }
0x22: {  	v46 =	vld [tilespmem:$0x240]  }
0x23: {  	v12 =	vld [tilespmem:$0x50]  }
0x24: {  	v13 =	vld [tilespmem:$0x250]  }
0x25: {  	v51 =	vld [tilespmem:$0x60]  }
0x26: {  	v15 =	vld [tilespmem:$0x260]  }
0x27: {  	v16 =	vld [tilespmem:$0x70];
	v4 =	vshra.s32 v0, $0x2;
	v6 =	vshra.s32 v1, $0x4;
	v0 =	vand.u32 $0xFFF, v0  }
0x28: {  	v56 =	vld [tilespmem:$0x270];
	v1 =	vand.u32 $0x3FF, v1;
	v40 =	vshra.s32 v2, $0x2;
	v2 =	vand.u32 $0xFFF, v2  }
0x29: {  	v18 =	vld [tilespmem:$0x80];
	v8 =	vshra.s32 v3, $0x4;
	v43 =	vshra.s32 v5, $0x2;
	v3 =	vand.u32 $0x3FF, v3  }
0x2a: {  	v19 =	vld [tilespmem:$0x280];
	v5 =	vand.u32 $0xFFF, v5;
	v45 =	vshra.s32 v7, $0x4;
	v7 =	vand.u32 $0x3FF, v7  }
0x2b: {  	v60 =	vld [tilespmem:$0x90];
	v11 =	vshra.s32 v41, $0x2;
	v48 =	vshra.s32 v9, $0x4;
	v9 =	vand.u32 $0x3FF, v9  }
0x2c: {  	v21 =	vld [tilespmem:$0x290];
	v50 =	vshra.s32 v10, $0x2;
	v10 =	vand.u32 $0xFFF, v10;
	v14 =	vshra.s32 v46, $0x4  }
0x2d: {  	v22 =	vld [tilespmem:$0xA0];
	v53 =	vshra.s32 v12, $0x2;
	v12 =	vand.u32 $0xFFF, v12;
	v55 =	vshra.s32 v13, $0x4  }
0x2e: {  	v24 =	vld [tilespmem:$0x2A0];
	v13 =	vand.u32 $0x3FF, v13;
	v17 =	vshra.s32 v51, $0x2;
	v58 =	vshra.s32 v15, $0x4  }
0x2f: {  	v15 =	vand.u32 $0x3FF, v15;
	v59 =	vshra.s32 v16, $0x2;
	v16 =	vand.u32 $0xFFF, v16  }
0x30: {  	v20 =	vshra.s32 v56, $0x4;
	v62 =	vshra.s32 v18, $0x2;
	v18 =	vand.u32 $0xFFF, v18  }
0x31: {  	v63 =	vshra.s32 v19, $0x4;
	v26 =	vand.u32 $0x3FF, v19;
	v27 =	vshra.s32 v60, $0x2  }
0x32: {  	v23 =	vld [tilespmem:$0xB0];
	v29 =	vshra.s32 v21, $0x4;
	v30 =	vand.u32 $0xFFF, v60;
	v32 =	vand.u32 $0x3FF, v21  }
0x33: {  	v36 =	vld [tilespmem:$0xC0];
	v35 =	vshra.s32 v22, $0x2;
	v37 =	vand.u32 $0xFFF, v22;
	v38 =	vshra.s32 v24, $0x4  }
0x34: {  	v39 =	vld [tilespmem:$0x2C0];
	v4 =	vand.u32 $0xFFFFF000, v4;
	v6 =	vand.u32 $0xFFFFFC00, v6;
	v42 =	vand.u32 $0xFFFFFC00, v8  }
0x35: {  	v8 =	vand.u32 $0xFFFFF000, v43;
	v47 =	vand.u32 $0xFFFFF000, v11;
	v11 =	vand.u32 $0xFFFFFC00, v48  }
0x36: {  	v52 =	vand.u32 $0xFFFFFC00, v14;
	v14 =	vand.u32 $0xFFFFF000, v53;
	v57 =	vand.u32 $0xFFFFF000, v17  }
0x37: {  	v17 =	vand.u32 $0xFFFFFC00, v58;
	v61 =	vand.u32 $0xFFFFFC00, v20;
	v20 =	vand.u32 $0xFFFFF000, v62  }
0x38: {  	v25 =	vand.u32 $0xFFFFFC00, v63;
	v28 =	vand.u32 $0xFFFFF000, v27;
	v31 =	vand.u32 $0xFFFFFC00, v29  }
0x39: {  	v43 =	vand.u32 $0xFFF, v23;
	v48 =	vshra.s32 v36, $0x2;
	v53 =	vand.u32 $0x3FF, v39  }
0x3a: {  	v0 =	vor.u32 v0, v4;
	v1 =	vor.u32 v1, v6;
	v4 =	vand.u32 $0xFFFFF000, v40  }
0x3b: {  	v33 =	vld [tilespmem:$0x2B0];
	v3 =	vor.u32 v3, v42;
	v44 =	vor.u32 v5, v8;
	v5 =	vand.u32 $0xFFFFFC00, v45  }
0x3c: {  	v6 =	vand.u32 $0xFFF, v41;
	v49 =	vor.u32 v9, v11;
	v9 =	vand.u32 $0xFFFFF000, v50  }
0x3d: {  	v8 =	vand.u32 $0x3FF, v46;
	v54 =	vor.u32 v12, v14;
	v12 =	vand.u32 $0xFFFFFC00, v55  }
0x3e: {  	v11 =	vand.u32 $0xFFF, v51;
	v14 =	vand.u32 $0x3FF, v56;
	v34 =	vor.u32 v32, v31;
	[tilespmem:$0x0] =	vst v0  }
0x3f: {  	v40 =	vand.u32 $0xFFFFFC00, v38;
	v41 =	vshra.s32 v23, $0x2;
	v42 =	vand.u32 $0x3FF, v24;
	[tilespmem:$0x200] =	vst v1  }
0x40: {  	v45 =	vshra.s32 v33, $0x4;
	v50 =	vand.u32 $0xFFFFF000, v48;
	v51 =	vshra.s32 v39, $0x4;
	[tilespmem:$0x210] =	vst v3  }
0x41: {  	v2 =	vor.u32 v2, v4;
	v5 =	vor.u32 v7, v5;
	v6 =	vor.u32 v6, v47;
	[tilespmem:$0x20] =	vst v44  }
0x42: {  	v63 =	vld [tilespmem:$0x100];
	v9 =	vor.u32 v10, v9;
	v8 =	vor.u32 v8, v52;
	v12 =	vor.u32 v13, v12;
	[tilespmem:$0x230] =	vst v49  }
0x43: {  	v46 =	vld [tilespmem:$0x2D0];
	v11 =	vor.u32 v11, v57;
	v13 =	vor.u32 v15, v17;
	v15 =	vand.u32 $0xFFFFF000, v59;
	[tilespmem:$0x50] =	vst v54  }
0x44: {  	v56 =	vld [tilespmem:$0xF0];
	v14 =	vor.u32 v14, v61;
	v0 =	vor.u32 v26, v25;
	v1 =	vor.u32 v30, v28;
	[tilespmem:$0x290] =	vst v34  }
0x45: {  	v23 =	vld [tilespmem:$0x300];
	v3 =	vand.u32 $0xFFFFF000, v35;
	v4 =	vor.u32 v42, v40;
	v47 =	vand.u32 $0x3FF, v33;
	[tilespmem:$0x220] =	vst v5  }
0x46: {  	v44 =	vld [tilespmem:$0xD0];
	v52 =	vand.u32 $0xFFF, v36;
	v15 =	vor.u32 v16, v15;
	v16 =	vor.u32 v18, v20;
	[tilespmem:$0x30] =	vst v6  }
0x47: {  	v49 =	vld [tilespmem:$0xE0];
	v3 =	vor.u32 v37, v3;
	v5 =	vand.u32 $0xFFFFF000, v41;
	[tilespmem:$0x40] =	vst v9;
	v6 =	vand.u32 $0xFFFFFC00, v45  }
0x48: {  	v54 =	vld [tilespmem:$0x2E0];
	[tilespmem:$0x240] =	vst v8;
	v9 =	vand.u32 $0xFFFFFC00, v51;
	v8 =	vor.u32 v52, v50;
	v5 =	vor.u32 v43, v5  }
0x49: {  	v59 =	vld [tilespmem:$0x2F0];
	[tilespmem:$0x10] =	vst v2;
	v6 =	vor.u32 v47, v6;
	v9 =	vor.u32 v53, v9;
	v35 =	vshra.s32 v63, $0x2  }
0x4a: {  	v26 =	vld [tilespmem:$0x110];
	[tilespmem:$0x250] =	vst v12;
	v38 =	vand.u32 $0xFFF, v63;
	v58 =	vshra.s32 v46, $0x4;
	v7 =	vand.u32 $0x3FF, v46  }
0x4b: {  	v33 =	vld [tilespmem:$0x310];
	[tilespmem:$0x60] =	vst v11;
	v25 =	vshra.s32 v56, $0x2;
	v30 =	vand.u32 $0xFFF, v56;
	v37 =	vand.u32 $0xFFFFF000, v35  }
0x4c: {  	v36 =	vld [tilespmem:$0x120];
	[tilespmem:$0x260] =	vst v13;
	v39 =	vshra.s32 v23, $0x4;
	v43 =	vand.u32 $0x3FF, v23;
	v55 =	vshra.s32 v44, $0x2  }
0x4d: {  	v40 =	vld [tilespmem:$0x320];
	[tilespmem:$0x270] =	vst v14;
	v57 =	vand.u32 $0xFFF, v44;
	v60 =	vand.u32 $0xFFFFFC00, v58;
	v61 =	vshra.s32 v49, $0x2  }
0x4e: {  	[tilespmem:$0x280] =	vst v0;
	v62 =	vand.u32 $0xFFF, v49;
	v22 =	vshra.s32 v54, $0x4;
	v24 =	vand.u32 $0x3FF, v54  }
0x4f: {  	[tilespmem:$0x90] =	vst v1;
	v28 =	vand.u32 $0xFFFFF000, v25;
	v29 =	vshra.s32 v59, $0x4;
	v32 =	vand.u32 $0x3FF, v59  }
0x50: {  	[tilespmem:$0xA0] =	vst v3;
	v3 =	vor.u32 v38, v37;
	v41 =	vand.u32 $0xFFFFFC00, v39;
	v42 =	vshra.s32 v26, $0x2  }
0x51: {  	[tilespmem:$0x2A0] =	vst v4;
	v45 =	vld [tilespmem:$0x130];
	v44 =	vand.u32 $0xFFF, v26;
	v47 =	vshra.s32 v33, $0x4;
	v49 =	vand.u32 $0x3FF, v33  }
0x52: {  	v51 =	vld [tilespmem:$0x140];
	[tilespmem:$0x70] =	vst v15;
	v50 =	vshra.s32 v36, $0x2;
	v53 =	vshra.s32 v40, $0x4;
	v54 =	vand.u32 $0xFFF, v36  }
0x53: {  	[tilespmem:$0x80] =	vst v16;
	v10 =	vand.u32 $0xFFFFF000, v55;
	v13 =	vand.u32 $0xFFFFF000, v61;
	v7 =	vor.u32 v7, v60  }
0x54: {  	[tilespmem:$0xC0] =	vst v8;
	v31 =	vand.u32 $0xFFFFFC00, v29;
	v1 =	vor.u32 v30, v28;
	v12 =	vand.u32 $0xFFFFF000, v42  }
0x55: {  	v48 =	vld [tilespmem:$0x330];
	[tilespmem:$0x2B0] =	vst v6;
	v4 =	vor.u32 v43, v41;
	v6 =	vand.u32 $0xFFFFFC00, v47;
	v52 =	vand.u32 $0xFFFFF000, v50  }
0x56: {  	[tilespmem:$0x2C0] =	vst v9;
	v9 =	vand.u32 $0xFFFFFC00, v53;
	v55 =	vand.u32 $0x3FF, v40;
	v59 =	vshra.s32 v45, $0x2  }
0x57: {  	[tilespmem:$0xB0] =	vst v5;
	v61 =	vand.u32 $0xFFF, v45;
	v20 =	vshra.s32 v51, $0x2;
	v10 =	vor.u32 v57, v10  }
0x58: {  	v63 =	vld [tilespmem:$0x350];
	[tilespmem:$0x100] =	vst v3;
	v21 =	vor.u32 v62, v13;
	v13 =	vand.u32 $0xFFFFFC00, v22;
	v34 =	vor.u32 v32, v31  }
0x59: {  	v56 =	vld [tilespmem:$0x340];
	v46 =	vor.u32 v44, v12;
	v6 =	vor.u32 v49, v6;
	[tilespmem:$0x2D0] =	vst v7;
	v57 =	vor.u32 v54, v52  }
0x5a: {  	v23 =	vld [tilespmem:$0x160];
	v58 =	vor.u32 v55, v9;
	v9 =	vand.u32 $0xFFFFF000, v59;
	v62 =	vshra.s32 v48, $0x4;
	[tilespmem:$0xF0] =	vst v1  }
0x5b: {  	v35 =	vld [tilespmem:$0x370];
	v11 =	vand.u32 $0xFFFFF000, v20;
	v22 =	vand.u32 $0xFFF, v51;
	[tilespmem:$0x300] =	vst v4;
	v27 =	vor.u32 v24, v13  }
0x5c: {  	v26 =	vld [tilespmem:$0x360];
	[tilespmem:$0xE0] =	vst v21;
	v18 =	vor.u32 v61, v9;
	v19 =	vand.u32 $0xFFFFFC00, v62;
	v21 =	vand.u32 $0x3FF, v48  }
0x5d: {  	v38 =	vld [tilespmem:$0x180];
	[tilespmem:$0x2F0] =	vst v34;
	v24 =	vor.u32 v22, v11;
	v32 =	vshra.s32 v63, $0x4;
	v34 =	vand.u32 $0x3FF, v63  }
0x5e: {  	v60 =	vld [tilespmem:$0x150];
	[tilespmem:$0xD0] =	vst v10;
	v1 =	vor.u32 v21, v19;
	v25 =	vshra.s32 v56, $0x4;
	v28 =	vand.u32 $0x3FF, v56  }
0x5f: {  	[tilespmem:$0x110] =	vst v46;
	v9 =	vand.u32 $0xFFFFFC00, v32;
	v37 =	vshra.s32 v23, $0x2;
	v39 =	vand.u32 $0xFFF, v23  }
0x60: {  	v30 =	vld [tilespmem:$0x170];
	[tilespmem:$0x2E0] =	vst v27;
	v48 =	vshra.s32 v35, $0x4;
	v51 =	vand.u32 $0x3FF, v35;
	v27 =	vand.u32 $0xFFFFFC00, v25  }
0x61: {  	v41 =	vld [tilespmem:$0x380];
	[tilespmem:$0x310] =	vst v6;
	v36 =	vor.u32 v34, v9;
	v6 =	vand.u32 $0xFFFFF000, v37;
	v40 =	vshra.s32 v26, $0x4  }
0x62: {  	v53 =	vld [tilespmem:$0x1A0];
	[tilespmem:$0x120] =	vst v57;
	v44 =	vand.u32 $0x3FF, v26;
	v50 =	vand.u32 $0xFFFFFC00, v48;
	v52 =	vshra.s32 v38, $0x2  }
0x63: {  	[tilespmem:$0x320] =	vst v58;
	v56 =	vand.u32 $0xFFF, v38;
	v29 =	vshra.s32 v60, $0x2;
	v3 =	vor.u32 v28, v27  }
0x64: {  	v49 =	vld [tilespmem:$0x390];
	[tilespmem:$0x130] =	vst v18;
	v33 =	vand.u32 $0xFFF, v60;
	v6 =	vor.u32 v39, v6;
	v42 =	vand.u32 $0xFFFFFC00, v40  }
0x65: {  	v46 =	vld [tilespmem:$0x190];
	[tilespmem:$0x140] =	vst v24;
	v43 =	vshra.s32 v30, $0x2;
	v45 =	vand.u32 $0xFFF, v30;
	v2 =	vor.u32 v51, v50  }
0x66: {  	v58 =	vld [tilespmem:$0x3A0];
	[tilespmem:$0x330] =	vst v1;
	v54 =	vand.u32 $0xFFFFF000, v52;
	v55 =	vshra.s32 v41, $0x4;
	v57 =	vand.u32 $0x3FF, v41  }
0x67: {  	v61 =	vld [tilespmem:$0x1B0];
	[tilespmem:$0x350] =	vst v36;
	v16 =	vshra.s32 v53, $0x2;
	v18 =	vand.u32 $0xFFF, v53;
	v31 =	vand.u32 $0xFFFFF000, v29  }
0x68: {  	v13 =	vld [tilespmem:$0x3B0];
	v8 =	vand.u32 $0xFFFFF000, v43;
	v0 =	vor.u32 v44, v42;
	[tilespmem:$0x340] =	vst v3;
	v7 =	vand.u32 $0xFFFFFC00, v55  }
0x69: {  	v22 =	vld [tilespmem:$0x3C0];
	v3 =	vor.u32 v56, v54;
	[tilespmem:$0x160] =	vst v6;
	v63 =	vshra.s32 v49, $0x4;
	v17 =	vand.u32 $0x3FF, v49  }
0x6a: {  	v6 =	vand.u32 $0xFFFFF000, v16;
	[tilespmem:$0x370] =	vst v2;
	v4 =	vor.u32 v33, v31;
	v47 =	vor.u32 v45, v8  }
0x6b: {  	v19 =	vld [tilespmem:$0x1C0];
	v59 =	vor.u32 v57, v7;
	v60 =	vshra.s32 v46, $0x2;
	v62 =	vand.u32 $0xFFF, v46;
	[tilespmem:$0x360] =	vst v0  }
0x6c: {  	v15 =	vand.u32 $0xFFFFFC00, v63;
	v20 =	vor.u32 v18, v6;
	v21 =	vshra.s32 v58, $0x4;
	[tilespmem:$0x180] =	vst v3  }
0x6d: {  	v26 =	vld [tilespmem:$0x1D0];
	v24 =	vand.u32 $0x3FF, v58;
	v25 =	vshra.s32 v61, $0x2;
	v28 =	vshra.s32 v13, $0x4;
	[tilespmem:$0x150] =	vst v4  }
0x6e: {  	v34 =	vld [tilespmem:$0x1E0];
	v29 =	vand.u32 $0xFFF, v61;
	v30 =	vand.u32 $0x3FF, v13;
	v37 =	vshra.s32 v22, $0x4;
	[tilespmem:$0x170] =	vst v47  }
0x6f: {  	v38 =	vld [tilespmem:$0x3E0];
	v41 =	vand.u32 $0x3FF, v22;
	v5 =	vand.u32 $0xFFFFF000, v60;
	v1 =	vor.u32 v17, v15;
	[tilespmem:$0x380] =	vst v59  }
0x70: {  	v23 =	vand.u32 $0xFFFFFC00, v21;
	v27 =	vand.u32 $0xFFFFF000, v25;
	v33 =	vshra.s32 v19, $0x2;
	[tilespmem:$0x1A0] =	vst v20  }
0x71: {  	v36 =	vand.u32 $0xFFF, v19;
	v39 =	vand.u32 $0xFFFFFC00, v37;
	v14 =	vor.u32 v62, v5;
	[tilespmem:$0x390] =	vst v1  }
0x72: {  	v3 =	vor.u32 v24, v23;
	v5 =	vand.u32 $0xFFFFFC00, v28;
	v0 =	vor.u32 v29, v27;
	[tilespmem:$0x190] =	vst v14  }
0x73: {  	v43 =	vld [tilespmem:$0x1F0];
	v35 =	vand.u32 $0xFFFFF000, v33;
	v40 =	vshra.s32 v26, $0x2;
	v42 =	vand.u32 $0xFFF, v26;
	[tilespmem:$0x3A0] =	vst v3  }
0x74: {  	v31 =	vld [tilespmem:$0x3D0];
	v49 =	vshra.s32 v34, $0x2;
	v52 =	vshra.s32 v38, $0x4;
	v32 =	vor.u32 v30, v5;
	[tilespmem:$0x1B0] =	vst v0  }
0x75: {  	v46 =	vld [tilespmem:$0x3F0];
	v53 =	vand.u32 $0xFFF, v34;
	v54 =	vand.u32 $0x3FF, v38;
	v2 =	vor.u32 v36, v35;
	[tilespmem:$0x3B0] =	vst v32  }
0x76: {  	v4 =	vand.u32 $0xFFFFF000, v40;
	v0 =	vor.u32 v41, v39;
	v51 =	vand.u32 $0xFFFFF000, v49;
	[tilespmem:$0x1C0] =	vst v2  }
0x77: {  	v3 =	vand.u32 $0xFFFFFC00, v52;
	v44 =	vor.u32 v42, v4;
	[tilespmem:$0x3C0] =	vst v0;
	v55 =	vor.u32 v53, v51  }
0x78: {  	v56 =	vor.u32 v54, v3;
	v57 =	vshra.s32 v43, $0x2;
	v59 =	vand.u32 $0xFFF, v43;
	[tilespmem:$0x1D0] =	vst v44  }
0x79: {  	v45 =	vshra.s32 v31, $0x4;
	v48 =	vand.u32 $0x3FF, v31;
	[tilespmem:$0x1E0] =	vst v55;
	v58 =	vand.u32 $0xFFFFF000, v57  }
0x7a: {  	v60 =	vshra.s32 v46, $0x4;
	[tilespmem:$0x3E0] =	vst v56;
	v47 =	vand.u32 $0xFFFFFC00, v45;
	v0 =	vor.u32 v59, v58  }
0x7b: {  	v62 =	vand.u32 $0x3FF, v46;
	v61 =	vand.u32 $0xFFFFFC00, v60;
	v50 =	vor.u32 v48, v47;
	[tilespmem:$0x1F0] =	vst v0  }
0x7c: {  	v63 =	vor.u32 v62, v61;
	[tilespmem:$0x3D0] =	vst v50  }
0x7d: {  	[tilespmem:$0x3F0] =	vst v63  }
0x7e: {  	[tilespmem:s13], [sflag:$0x1] =	stream.indirect.gather [hbm4b:s4+s12], $0x80, s3, s12, $0xb8;
	[tilespmem:$0x10400] =	vst v63  }
0x7f: {  	_ = 	snop  }
0x80: {  	[tilespmem:s14], [sflag:$0x1] =	stream.indirect.gather [hbm4b:s4+s12], $0x80, s12, s12, $0xb8;
	[tilespmem:$0x10400] =	vst v63  }
0x81: {  	_ = 	snop  }
0x82: {  	[tilespmem:s16], [sflag:$0x1] =	stream.indirect.gather [hbm4b:s4+s12], $0x80, s15, s12, $0xb8;
	[tilespmem:$0x10400] =	vst v63  }
0x83: {  	_ = 	snop  }
0x84: {  	[tilespmem:s18], [sflag:$0x1] =	stream.indirect.gather [hbm4b:s4+s12], $0x80, s17, s12, $0xb8;
	[tilespmem:$0x10400] =	vst v63  }
0x85: {  	_ =	swait.ge [sflag:s19], $0x4000  }
0x86: {  	[sflag:s19] =	ssyncset.done $0x0  }
0x87: {  	[sflag:s19] =	ssyncadd.s32 $0xFFFFC000  }
0x88: {  	_ =	swait.ge [sflag:s19], $0x4000  }
0x89: {  	[sflag:s19] =	ssyncset.done $0x0  }
0x8a: {  	[sflag:s19] =	ssyncadd.s32 $0xFFFFC000  }
0x8b: {  	_ =	swait.ge [sflag:s19], $0x4000  }
0x8c: {  	[sflag:s19] =	ssyncset.done $0x0  }
0x8d: {  	[sflag:s19] =	ssyncadd.s32 $0xFFFFC000  }
0x8e: {  	_ =	swait.ge [sflag:s19], $0x4000  }
0x8f: {  	[sflag:s19] =	ssyncset.done $0x0  }
0x90: {  	[sflag:s19] =	ssyncadd.s32 $0xFFFFC000  }
0x91: {  	[hbm4b:s7+s3] =	stream.linear.scatter [tilespmem:s13], [sflag:$0x2], $0x10000, $0x38;
	[tilespmem:$0x10400] =	vst v63  }
0x92: {  	_ =	swait.ge [sflag:s10], $0x10000  }
0x93: {  	[sflag:s10] =	ssyncset.done $0x0  }
0x94: {  	[sflag:s10] =	ssyncadd.s32 $0xFFFF0000  }
0x95: {  	[tilespmem:s13], [sflag:$0x1] =	stream.indirect.gather [hbm4b:s1+s12], $0x80, s11, s12, $0xb8;
	[tilespmem:$0x10400] =	vst v63  }
0x96: {  	_ = 	snop  }
0x97: {  	[tilespmem:s14], [sflag:$0x1] =	stream.indirect.gather [hbm4b:s1+s12], $0x80, s20, s12, $0xb8;
	[tilespmem:$0x10400] =	vst v63  }
0x98: {  	_ = 	snop  }
0x99: {  	[tilespmem:s16], [sflag:$0x1] =	stream.indirect.gather [hbm4b:s1+s12], $0x80, s21, s12, $0xb8;
	[tilespmem:$0x10400] =	vst v63  }
0x9a: {  	_ = 	snop  }
0x9b: {  	[tilespmem:s18], [sflag:$0x1] =	stream.indirect.gather [hbm4b:s1+s12], $0x80, s22, s12, $0xb8;
	[tilespmem:$0x10400] =	vst v63  }
0x9c: {  	_ =	swait.ge [sflag:s19], $0x4000  }
0x9d: {  	[sflag:s19] =	ssyncset.done $0x0  }
0x9e: {  	[sflag:s19] =	ssyncadd.s32 $0xFFFFC000  }
0x9f: {  	_ =	swait.ge [sflag:s19], $0x4000  }
0xa0: {  	[sflag:s19] =	ssyncset.done $0x0  }
0xa1: {  	[sflag:s19] =	ssyncadd.s32 $0xFFFFC000  }
0xa2: {  	_ =	swait.ge [sflag:s19], $0x4000  }
0xa3: {  	[sflag:s19] =	ssyncset.done $0x0  }
0xa4: {  	[sflag:s19] =	ssyncadd.s32 $0xFFFFC000  }
0xa5: {  	_ =	swait.ge [sflag:s19], $0x4000  }
0xa6: {  	p0 =	sne.s32 s9, $0x1;
	[sflag:s19] =	ssyncset.done $0x0  }
.Ltmp0:
0xa7: {  	[sflag:s19] =	ssyncadd.s32 $0xFFFFC000;
	(pc) =	sbr.rel @p0 .LBB2_1-.Ltmp0, $4  }
0xa8: {  	[hbm4b:s8+s3] =	stream.linear.scatter [tilespmem:s13], [sflag:$0x2], $0x10000, $0x38;
	[tilespmem:$0x10400] =	vst v63  }
0xa9: {  	_ =	swait.ge [sflag:s10], $0x10000  }
0xaa: {  	[sflag:s10] =	ssyncset.done $0x0  }
0xab: {  	s9 =	sadd.s32 $0xFFFFFFFF, s9;
	[sflag:s10] =	ssyncadd.s32 $0xFFFF0000  }
0xac: {  	_ =	sfence.sel $0x180000  }
0xad: {  	[bflag:$0x0] =	sbarrier.arrive $0xFFFF  }
0xae: {  	p0 =	sne.s32 s2, $0x0;
	_ =	strace $0x90000047  }
0xaf: {  	s0 =	sadd.s32 @!p0 $0x100000, s0;
	[bflag:$0x2] =	sbarrier.arrive $0xFFFF  }
0xb0: {  	[sflag:s0] =	ssyncadd.tile.s32 @!p0 $0x1;
	_ =	shalt  }
.Lfunc_end2:
_tile_overlayer_lowered:
.L_overlay_start_2:
0xb1: {  	(tag) =	ssettag $0x2  }
0xb2: {  	s0 =	rddreg [dreg:$0x0];
	s2 =	stileid.u32  }
0xb3: {  	s1 =	rddreg [dreg:$0x1];
	p0 =	sne.s32 s2, $0x0  }
0xb4: {  	s3 =	rddreg [dreg:$0x2];
	[bflag:$0x3] =	sbarrier.arrive $0xFFFF;
	s2 =	simm.s32 @!p0 $0x1C02  }
0xb5: {  	[timem:s3], [sflag:s2] =	dma.local @!p0 [hbm:s0], s1  }
0xb6: {  	s0 =	simm.s32 @!p0 $0x2  }
0xb7: {  	_ =	swait.ge @!p0 [sflag:s0], s1  }
0xb8: {  	s1 =	ssub.s32 @!p0 $0x0, s1;
	[sflag:s0] =	ssyncset.done @!p0 $0x0  }
0xb9: {  	[sflag:s0] =	ssyncadd.s32 @!p0 s1  }
0xba: {  	[bflag:$0x3] =	sbarrier.arrive $0xFFFF  }
0xbb: {  	_ =	shalt  }

</sc_bundles>
